<compile_context>
chip_gen: v7x
topology: tpu7x:2x2x1
jax: 0.10.2.dev20260603
libtpu: 0.0.44.dev20260713+nightly
codegen_flags: <defaults>
</compile_context>

<pallas_src>
import functools

import jax
import jax.numpy as jnp
from jax import lax
from jax.experimental import pallas as pl
from jax.experimental.pallas import tpu as pltpu
from jax.experimental.pallas import tpu_sc as plsc

NUM_WORKERS = 32
LANES = 16
CHUNK = 16


def _build(num_tokens: int, hidden: int):
    per_worker = num_tokens // NUM_WORKERS
    ngroups = per_worker // LANES
    mesh = plsc.VectorSubcoreMesh(core_axis_name="c", subcore_axis_name="s")

    @functools.partial(
        pl.kernel,
        out_type=jax.ShapeDtypeStruct((num_tokens, hidden), jnp.float32),
        mesh=mesh,
        compiler_params=pltpu.CompilerParams(needs_layout_passes=False),
        scratch_types=[
            pltpu.VMEM((per_worker,), jnp.int32),
            pltpu.VMEM((CHUNK, hidden), jnp.float32),
            pltpu.VMEM((CHUNK, hidden), jnp.float32),
            pltpu.VMEM((per_worker + LANES,), jnp.int32),
            pltpu.VMEM((per_worker + LANES,), jnp.int32),
            pltpu.VMEM((ngroups + 1, LANES), jnp.int32),
            pltpu.VMEM((ngroups + 1, LANES), jnp.int32),
            pltpu.VMEM((2, hidden), jnp.float32),
            pltpu.SemaphoreType.DMA,
            pltpu.SemaphoreType.DMA,
        ],
    )
    def run(ids_hbm, w_hbm, out_hbm, ids_v, c0_v, c1_v, pf0, pf1,
            p2d0, p2d1, w_v, sem, sem_ids):
        cid = lax.axis_index("c")
        sid = lax.axis_index("s")
        wid = sid * 2 + cid
        base = wid * per_worker
        lanes = lax.iota(jnp.int32, LANES)
        pltpu.sync_copy(w_hbm, w_v)
        d_ids = pltpu.async_copy(ids_hbm.at[wid], ids_v, sem_ids)

        def fill0(j, carry):
            v0 = w_v[0, pl.ds(j * LANES, LANES)]
            for r in range(CHUNK):
                c0_v[r, pl.ds(j * LANES, LANES)] = v0
            return carry

        lax.fori_loop(0, hidden // LANES, fill0, 0)
        d_ids.wait()

        def group(g, carry):
            cur0, cur1 = carry
            ids_vec = ids_v[pl.ds(g * LANES, LANES)]
            positions = base + g * LANES + lanes
            m0 = ids_vec == 0
            m1 = jnp.logical_not(m0)
            plsc.store_compressed(pf0.at[pl.ds(cur0, LANES)], positions, mask=m0)
            plsc.store_compressed(pf1.at[pl.ds(cur1, LANES)], positions, mask=m1)
            n0v = plsc.all_reduce_population_count(m0)
            n0 = n0v if n0v.ndim == 0 else n0v[0]
            return (cur0 + n0, cur1 + (LANES - n0))

        cur0, cur1 = lax.fori_loop(
            0, ngroups, group, (jnp.int32(0), jnp.int32(0)))

        zero16 = lanes * 0
        pf0[pl.ds(cur0, LANES)] = plsc.load_gather(pf0, [zero16])
        pf1[pl.ds(cur1, LANES)] = plsc.load_gather(pf1, [zero16])

        def stage(k, carry):
            p2d0[k, :] = pf0[pl.ds(k * LANES, LANES)]
            p2d1[k, :] = pf1[pl.ds(k * LANES, LANES)]
            return carry

        lax.fori_loop(0, ngroups + 1, stage, 0)

        nc0 = (cur0 + (CHUNK - 1)) // CHUNK
        nc1 = (cur1 + (CHUNK - 1)) // CHUNK

        def fire0(k, carry):
            pltpu.async_copy(c0_v, out_hbm.at[p2d0.at[k]], sem)
            return carry

        def fire1(k, carry):
            pltpu.async_copy(c1_v, out_hbm.at[p2d1.at[k]], sem)
            return carry

        def fill1(j, carry):
            v1 = w_v[1, pl.ds(j * LANES, LANES)]
            for r in range(CHUNK):
                c1_v[r, pl.ds(j * LANES, LANES)] = v1
            return carry

        lax.fori_loop(0, nc0, fire0, 0)
        lax.fori_loop(0, hidden // LANES, fill1, 0)
        lax.fori_loop(0, nc1, fire1, 0)

        def drain(k, carry):
            pltpu.make_async_copy(c0_v, out_hbm.at[p2d0.at[0]], sem).wait()
            return carry

        lax.fori_loop(0, nc0 + nc1, drain, 0)

    return run


def kernel(tokentype_ids, weight):
    batch, seq = tokentype_ids.shape
    vocab, hidden = weight.shape
    num_tokens = batch * seq
    ids2 = tokentype_ids.reshape(NUM_WORKERS, num_tokens // NUM_WORKERS)
    out = _build(num_tokens, hidden)(ids2, weight)
    return out.reshape(batch, seq, hidden)

# --- scband reference (transcript-rebuilt; emitter-appended) ---
"""Pipeline reference for scband-tokentype-parallel-embedding-50611894616448 (READ-ONLY COPY).

The authoritative reference and input builder live on the scoring server;
editing this copy changes nothing except your own understanding.
"""

import jax, jax.numpy as jnp
import numpy as np

NUM_TOKENTYPES = 2
HIDDEN_SIZE = 2048
BATCH = 4
SEQ = 8192


def setup_inputs(seed: int = 0) -> dict:
    key = jax.random.key(seed)
    k1, k2 = jax.random.split(key)
    tokentype_ids = jax.random.randint(k1, (BATCH, SEQ), 0, NUM_TOKENTYPES, dtype=jnp.int32)
    # learned embedding table, single-chip view: summa_dim=1 so hidden_pp == hidden_size
    weight = jax.random.normal(k2, (NUM_TOKENTYPES, HIDDEN_SIZE), dtype=jnp.float32) * 0.02
    return {"tokentype_ids": tokentype_ids, "weight": weight}


def reference(tokentype_ids, weight):
    # Single-chip semantics of TokentypeParallelEmbedding.forward:
    # batch slicing with summa_dim=1 / row_rank=0 is the identity, the
    # broadcast is a no-op, and TPE reduces to F.embedding(ids, weight).
    out = jnp.take(weight, tokentype_ids, axis=0)
    return out

if __name__ == "__main__":
    import jax
    _d = setup_inputs()
    print(jax.jit(kernel)(*tuple(_d.values())))

</pallas_src>

<mosaic_0001>
#map = affine_map<(d0, d1) -> (0, 0)>
module attributes {stable_mosaic.version = 14 : i64} {
  func.func @run(%arg0: i32, %arg1: i32, %arg2: memref<32x1024xi32, #tpu.memory_space<hbm>>, %arg3: memref<2x2048xf32, #tpu.memory_space<hbm>>, %arg4: memref<32768x2048xf32, #tpu.memory_space<hbm>>, %arg5: memref<1024xi32, #tpu.memory_space<vmem>>, %arg6: memref<16x2048xf32, #tpu.memory_space<vmem>>, %arg7: memref<16x2048xf32, #tpu.memory_space<vmem>>, %arg8: memref<1040xi32, #tpu.memory_space<vmem>>, %arg9: memref<1040xi32, #tpu.memory_space<vmem>>, %arg10: memref<65x16xi32, #tpu.memory_space<vmem>>, %arg11: memref<65x16xi32, #tpu.memory_space<vmem>>, %arg12: memref<2x2048xf32, #tpu.memory_space<vmem>>, %arg13: memref<!tpu.dma_semaphore, #tpu.memory_space<semaphore_mem>>, %arg14: memref<!tpu.dma_semaphore, #tpu.memory_space<semaphore_mem>>) attributes {dimension_semantics = [#tpu.dimension_semantics<core_parallel>, #tpu.dimension_semantics<subcore_parallel>], iteration_bounds = array<i64: 2, 16>, scalar_prefetch = 0 : i64, scratch_operands = 10 : i64, tpu.core_type = #tpu.core_type<sc_vector_subcore>, window_params = [{transform_indices = #map}, {transform_indices = #map}, {transform_indices = #map}]} {
    %mul3A = arith.constant 2 : i32
    %mul3A_0 = arith.muli %arg1, %mul3A : i32
    %add3A = arith.addi %mul3A_0, %arg0 : i32
    %mul3A_1 = arith.constant 1024 : i32
    %mul3A_2 = arith.muli %add3A, %mul3A_1 : i32
    %iota3A = tpu.iota {dimensions = array<i32: 0>} : vector<16xi32>
    "tpu.region"() ({
      %run_scoped3A = tpu.sem_alloc : memref<!tpu.dma_semaphore, #tpu.memory_space<semaphore_mem>>
      tpu.enqueue_dma source(%arg3 : memref<2x2048xf32, #tpu.memory_space<hbm>>) target(%arg12 : memref<2x2048xf32, #tpu.memory_space<vmem>>) target_semaphore(%run_scoped3A : memref<!tpu.dma_semaphore, #tpu.memory_space<semaphore_mem>>)
      tpu.wait_dma2 semaphore(%run_scoped3A : memref<!tpu.dma_semaphore, #tpu.memory_space<semaphore_mem>>) src(%arg3 : memref<2x2048xf32, #tpu.memory_space<hbm>>) dst(%arg12 : memref<2x2048xf32, #tpu.memory_space<vmem>>)
      tpu.yield
    }) : () -> ()
    %dma_start3A = arith.constant 0 : i32
    %dma_start3A_3 = tpu.memref_slice %arg2[%add3A, %dma_start3A] : memref<32x1024xi32, #tpu.memory_space<hbm>> -> memref<1x1024xi32, #tpu.memory_space<hbm>>
    %dma_start3A_4 = tpu.memref_squeeze %dma_start3A_3 : memref<1x1024xi32, #tpu.memory_space<hbm>> -> memref<1024xi32, #tpu.memory_space<hbm>>
    %dma_start3A_5 = arith.constant 0 : i32
    %dma_start3A_6 = tpu.memref_slice %arg2[%add3A, %dma_start3A_5] : memref<32x1024xi32, #tpu.memory_space<hbm>> -> memref<1x1024xi32, #tpu.memory_space<hbm>>
    %dma_start3A_7 = tpu.memref_squeeze %dma_start3A_6 : memref<1x1024xi32, #tpu.memory_space<hbm>> -> memref<1024xi32, #tpu.memory_space<hbm>>
    tpu.enqueue_dma source(%dma_start3A_7 : memref<1024xi32, #tpu.memory_space<hbm>>) target(%arg5 : memref<1024xi32, #tpu.memory_space<vmem>>) target_semaphore(%arg14 : memref<!tpu.dma_semaphore, #tpu.memory_space<semaphore_mem>>)
    %scan3A = arith.constant 0 : i32
    %scan3A_8 = arith.constant 0 : i32
    %scan3A_9 = arith.constant 128 : i32
    %scan3A_10 = arith.addi %scan3A_8, %scan3A_9 : i32
    %scan3A_11 = arith.constant 1 : i32
    scf.for %scan3A_119 = %scan3A_8 to %scan3A_10 step %scan3A_11  : i32 {
      %mul3A_120 = arith.constant 16 : i32
      %mul3A_121 = arith.muli %scan3A_119, %mul3A_120 : i32
      %get3A = arith.constant 0 : i32
      %get3A_122 = arith.index_cast %get3A : i32 to index
      %get3A_123 = arith.index_cast %mul3A_121 : i32 to index
      %get3A_124 = tpu.vector_load %arg12[%get3A_122, %get3A_123] {strides = array<i32>} : memref<2x2048xf32, #tpu.memory_space<vmem>>, vector<16xf32>,
      %mul3A_125 = arith.constant 16 : i32
      %mul3A_126 = arith.muli %scan3A_119, %mul3A_125 : i32
      %swap3A_127 = arith.constant 0 : i32
      %swap3A_128 = arith.index_cast %swap3A_127 : i32 to index
      %swap3A_129 = arith.index_cast %mul3A_126 : i32 to index
      %swap3A_130 = tpu.vector_load %arg6[%swap3A_128, %swap3A_129] {strides = array<i32>} : memref<16x2048xf32, #tpu.memory_space<vmem>>, vector<16xf32>,
      tpu.vector_store %arg6[%swap3A_128, %swap3A_129], %get3A_124 {strides = array<i32>} : memref<16x2048xf32, #tpu.memory_space<vmem>>, vector<16xf32>,
      %mul3A_131 = arith.constant 16 : i32
      %mul3A_132 = arith.muli %scan3A_119, %mul3A_131 : i32
      %swap3A_133 = arith.constant 1 : i32
      %swap3A_134 = arith.index_cast %swap3A_133 : i32 to index
      %swap3A_135 = arith.index_cast %mul3A_132 : i32 to index
      %swap3A_136 = tpu.vector_load %arg6[%swap3A_134, %swap3A_135] {strides = array<i32>} : memref<16x2048xf32, #tpu.memory_space<vmem>>, vector<16xf32>,
      tpu.vector_store %arg6[%swap3A_134, %swap3A_135], %get3A_124 {strides = array<i32>} : memref<16x2048xf32, #tpu.memory_space<vmem>>, vector<16xf32>,
      %mul3A_137 = arith.constant 16 : i32
      %mul3A_138 = arith.muli %scan3A_119, %mul3A_137 : i32
      %swap3A_139 = arith.constant 2 : i32
      %swap3A_140 = arith.index_cast %swap3A_139 : i32 to index
      %swap3A_141 = arith.index_cast %mul3A_138 : i32 to index
      %swap3A_142 = tpu.vector_load %arg6[%swap3A_140, %swap3A_141] {strides = array<i32>} : memref<16x2048xf32, #tpu.memory_space<vmem>>, vector<16xf32>,
      tpu.vector_store %arg6[%swap3A_140, %swap3A_141], %get3A_124 {strides = array<i32>} : memref<16x2048xf32, #tpu.memory_space<vmem>>, vector<16xf32>,
      %mul3A_143 = arith.constant 16 : i32
      %mul3A_144 = arith.muli %scan3A_119, %mul3A_143 : i32
      %swap3A_145 = arith.constant 3 : i32
      %swap3A_146 = arith.index_cast %swap3A_145 : i32 to index
      %swap3A_147 = arith.index_cast %mul3A_144 : i32 to index
      %swap3A_148 = tpu.vector_load %arg6[%swap3A_146, %swap3A_147] {strides = array<i32>} : memref<16x2048xf32, #tpu.memory_space<vmem>>, vector<16xf32>,
      tpu.vector_store %arg6[%swap3A_146, %swap3A_147], %get3A_124 {strides = array<i32>} : memref<16x2048xf32, #tpu.memory_space<vmem>>, vector<16xf32>,
      %mul3A_149 = arith.constant 16 : i32
      %mul3A_150 = arith.muli %scan3A_119, %mul3A_149 : i32
      %swap3A_151 = arith.constant 4 : i32
      %swap3A_152 = arith.index_cast %swap3A_151 : i32 to index
      %swap3A_153 = arith.index_cast %mul3A_150 : i32 to index
      %swap3A_154 = tpu.vector_load %arg6[%swap3A_152, %swap3A_153] {strides = array<i32>} : memref<16x2048xf32, #tpu.memory_space<vmem>>, vector<16xf32>,
      tpu.vector_store %arg6[%swap3A_152, %swap3A_153], %get3A_124 {strides = array<i32>} : memref<16x2048xf32, #tpu.memory_space<vmem>>, vector<16xf32>,
      %mul3A_155 = arith.constant 16 : i32
      %mul3A_156 = arith.muli %scan3A_119, %mul3A_155 : i32
      %swap3A_157 = arith.constant 5 : i32
      %swap3A_158 = arith.index_cast %swap3A_157 : i32 to index
      %swap3A_159 = arith.index_cast %mul3A_156 : i32 to index
      %swap3A_160 = tpu.vector_load %arg6[%swap3A_158, %swap3A_159] {strides = array<i32>} : memref<16x2048xf32, #tpu.memory_space<vmem>>, vector<16xf32>,
      tpu.vector_store %arg6[%swap3A_158, %swap3A_159], %get3A_124 {strides = array<i32>} : memref<16x2048xf32, #tpu.memory_space<vmem>>, vector<16xf32>,
      %mul3A_161 = arith.constant 16 : i32
      %mul3A_162 = arith.muli %scan3A_119, %mul3A_161 : i32
      %swap3A_163 = arith.constant 6 : i32
      %swap3A_164 = arith.index_cast %swap3A_163 : i32 to index
      %swap3A_165 = arith.index_cast %mul3A_162 : i32 to index
      %swap3A_166 = tpu.vector_load %arg6[%swap3A_164, %swap3A_165] {strides = array<i32>} : memref<16x2048xf32, #tpu.memory_space<vmem>>, vector<16xf32>,
      tpu.vector_store %arg6[%swap3A_164, %swap3A_165], %get3A_124 {strides = array<i32>} : memref<16x2048xf32, #tpu.memory_space<vmem>>, vector<16xf32>,
      %mul3A_167 = arith.constant 16 : i32
      %mul3A_168 = arith.muli %scan3A_119, %mul3A_167 : i32
      %swap3A_169 = arith.constant 7 : i32
      %swap3A_170 = arith.index_cast %swap3A_169 : i32 to index
      %swap3A_171 = arith.index_cast %mul3A_168 : i32 to index
      %swap3A_172 = tpu.vector_load %arg6[%swap3A_170, %swap3A_171] {strides = array<i32>} : memref<16x2048xf32, #tpu.memory_space<vmem>>, vector<16xf32>,
      tpu.vector_store %arg6[%swap3A_170, %swap3A_171], %get3A_124 {strides = array<i32>} : memref<16x2048xf32, #tpu.memory_space<vmem>>, vector<16xf32>,
      %mul3A_173 = arith.constant 16 : i32
      %mul3A_174 = arith.muli %scan3A_119, %mul3A_173 : i32
      %swap3A_175 = arith.constant 8 : i32
      %swap3A_176 = arith.index_cast %swap3A_175 : i32 to index
      %swap3A_177 = arith.index_cast %mul3A_174 : i32 to index
      %swap3A_178 = tpu.vector_load %arg6[%swap3A_176, %swap3A_177] {strides = array<i32>} : memref<16x2048xf32, #tpu.memory_space<vmem>>, vector<16xf32>,
      tpu.vector_store %arg6[%swap3A_176, %swap3A_177], %get3A_124 {strides = array<i32>} : memref<16x2048xf32, #tpu.memory_space<vmem>>, vector<16xf32>,
      %mul3A_179 = arith.constant 16 : i32
      %mul3A_180 = arith.muli %scan3A_119, %mul3A_179 : i32
      %swap3A_181 = arith.constant 9 : i32
      %swap3A_182 = arith.index_cast %swap3A_181 : i32 to index
      %swap3A_183 = arith.index_cast %mul3A_180 : i32 to index
      %swap3A_184 = tpu.vector_load %arg6[%swap3A_182, %swap3A_183] {strides = array<i32>} : memref<16x2048xf32, #tpu.memory_space<vmem>>, vector<16xf32>,
      tpu.vector_store %arg6[%swap3A_182, %swap3A_183], %get3A_124 {strides = array<i32>} : memref<16x2048xf32, #tpu.memory_space<vmem>>, vector<16xf32>,
      %mul3A_185 = arith.constant 16 : i32
      %mul3A_186 = arith.muli %scan3A_119, %mul3A_185 : i32
      %swap3A_187 = arith.constant 10 : i32
      %swap3A_188 = arith.index_cast %swap3A_187 : i32 to index
      %swap3A_189 = arith.index_cast %mul3A_186 : i32 to index
      %swap3A_190 = tpu.vector_load %arg6[%swap3A_188, %swap3A_189] {strides = array<i32>} : memref<16x2048xf32, #tpu.memory_space<vmem>>, vector<16xf32>,
      tpu.vector_store %arg6[%swap3A_188, %swap3A_189], %get3A_124 {strides = array<i32>} : memref<16x2048xf32, #tpu.memory_space<vmem>>, vector<16xf32>,
      %mul3A_191 = arith.constant 16 : i32
      %mul3A_192 = arith.muli %scan3A_119, %mul3A_191 : i32
      %swap3A_193 = arith.constant 11 : i32
      %swap3A_194 = arith.index_cast %swap3A_193 : i32 to index
      %swap3A_195 = arith.index_cast %mul3A_192 : i32 to index
      %swap3A_196 = tpu.vector_load %arg6[%swap3A_194, %swap3A_195] {strides = array<i32>} : memref<16x2048xf32, #tpu.memory_space<vmem>>, vector<16xf32>,
      tpu.vector_store %arg6[%swap3A_194, %swap3A_195], %get3A_124 {strides = array<i32>} : memref<16x2048xf32, #tpu.memory_space<vmem>>, vector<16xf32>,
      %mul3A_197 = arith.constant 16 : i32
      %mul3A_198 = arith.muli %scan3A_119, %mul3A_197 : i32
      %swap3A_199 = arith.constant 12 : i32
      %swap3A_200 = arith.index_cast %swap3A_199 : i32 to index
      %swap3A_201 = arith.index_cast %mul3A_198 : i32 to index
      %swap3A_202 = tpu.vector_load %arg6[%swap3A_200, %swap3A_201] {strides = array<i32>} : memref<16x2048xf32, #tpu.memory_space<vmem>>, vector<16xf32>,
      tpu.vector_store %arg6[%swap3A_200, %swap3A_201], %get3A_124 {strides = array<i32>} : memref<16x2048xf32, #tpu.memory_space<vmem>>, vector<16xf32>,
      %mul3A_203 = arith.constant 16 : i32
      %mul3A_204 = arith.muli %scan3A_119, %mul3A_203 : i32
      %swap3A_205 = arith.constant 13 : i32
      %swap3A_206 = arith.index_cast %swap3A_205 : i32 to index
      %swap3A_207 = arith.index_cast %mul3A_204 : i32 to index
      %swap3A_208 = tpu.vector_load %arg6[%swap3A_206, %swap3A_207] {strides = array<i32>} : memref<16x2048xf32, #tpu.memory_space<vmem>>, vector<16xf32>,
      tpu.vector_store %arg6[%swap3A_206, %swap3A_207], %get3A_124 {strides = array<i32>} : memref<16x2048xf32, #tpu.memory_space<vmem>>, vector<16xf32>,
      %mul3A_209 = arith.constant 16 : i32
      %mul3A_210 = arith.muli %scan3A_119, %mul3A_209 : i32
      %swap3A_211 = arith.constant 14 : i32
      %swap3A_212 = arith.index_cast %swap3A_211 : i32 to index
      %swap3A_213 = arith.index_cast %mul3A_210 : i32 to index
      %swap3A_214 = tpu.vector_load %arg6[%swap3A_212, %swap3A_213] {strides = array<i32>} : memref<16x2048xf32, #tpu.memory_space<vmem>>, vector<16xf32>,
      tpu.vector_store %arg6[%swap3A_212, %swap3A_213], %get3A_124 {strides = array<i32>} : memref<16x2048xf32, #tpu.memory_space<vmem>>, vector<16xf32>,
      %mul3A_215 = arith.constant 16 : i32
      %mul3A_216 = arith.muli %scan3A_119, %mul3A_215 : i32
      %swap3A_217 = arith.constant 15 : i32
      %swap3A_218 = arith.index_cast %swap3A_217 : i32 to index
      %swap3A_219 = arith.index_cast %mul3A_216 : i32 to index
      %swap3A_220 = tpu.vector_load %arg6[%swap3A_218, %swap3A_219] {strides = array<i32>} : memref<16x2048xf32, #tpu.memory_space<vmem>>, vector<16xf32>,
      tpu.vector_store %arg6[%swap3A_218, %swap3A_219], %get3A_124 {strides = array<i32>} : memref<16x2048xf32, #tpu.memory_space<vmem>>, vector<16xf32>,
    }
    %scan3A_12 = arith.constant 128 : i32
    %dma_wait3A = arith.constant 0 : i32
    %dma_wait3A_13 = tpu.memref_slice %arg2[%add3A, %dma_wait3A] : memref<32x1024xi32, #tpu.memory_space<hbm>> -> memref<1x1024xi32, #tpu.memory_space<hbm>>
    %dma_wait3A_14 = tpu.memref_squeeze %dma_wait3A_13 : memref<1x1024xi32, #tpu.memory_space<hbm>> -> memref<1024xi32, #tpu.memory_space<hbm>>
    %dma_wait3A_15 = arith.constant 0 : i32
    %dma_wait3A_16 = tpu.memref_slice %arg2[%add3A, %dma_wait3A_15] : memref<32x1024xi32, #tpu.memory_space<hbm>> -> memref<1x1024xi32, #tpu.memory_space<hbm>>
    %dma_wait3A_17 = tpu.memref_squeeze %dma_wait3A_16 : memref<1x1024xi32, #tpu.memory_space<hbm>> -> memref<1024xi32, #tpu.memory_space<hbm>>
    tpu.wait_dma2 semaphore(%arg14 : memref<!tpu.dma_semaphore, #tpu.memory_space<semaphore_mem>>) src(%dma_wait3A_17 : memref<1024xi32, #tpu.memory_space<hbm>>) dst(%arg5 : memref<1024xi32, #tpu.memory_space<vmem>>)
    %scan3A_18 = arith.constant 0 : i32
    %scan3A_19 = arith.constant 0 : i32
    %scan3A_20 = arith.constant 0 : i32
    %scan3A_21 = arith.constant 64 : i32
    %scan3A_22 = arith.addi %scan3A_20, %scan3A_21 : i32
    %scan3A_23 = arith.constant 1 : i32
    %scan3A_24:2 = scf.for %scan3A_119 = %scan3A_20 to %scan3A_22 step %scan3A_23 iter_args(%scan3A_120 = %scan3A_18, %scan3A_121 = %scan3A_19) -> (i32, i32)  : i32 {
      %mul3A_122 = arith.constant 16 : i32
      %mul3A_123 = arith.muli %scan3A_119, %mul3A_122 : i32
      %get3A = arith.index_cast %mul3A_123 : i32 to index
      %get3A_124 = tpu.vector_load %arg5[%get3A] {strides = array<i32>} : memref<1024xi32, #tpu.memory_space<vmem>>, vector<16xi32>,
      %mul3A_125 = arith.constant 16 : i32
      %mul3A_126 = arith.muli %scan3A_119, %mul3A_125 : i32
      %add3A_127 = arith.addi %mul3A_2, %mul3A_126 : i32
      %add3A_128 = vector.broadcast %add3A_127 : i32 to vector<16xi32>
      %add3A_129 = arith.addi %add3A_128, %iota3A : vector<16xi32>
      %eq3A = arith.constant 0 : i32
      %eq3A_130 = vector.broadcast %eq3A : i32 to vector<16xi32>
      %eq3A_131 = arith.cmpi eq, %get3A_124, %eq3A_130 : vector<16xi32>
      %not3A = arith.constant dense<true> : vector<16xi1>
      %not3A_132 = arith.xori %eq3A_131, %not3A : vector<16xi1>
      %swap3A_133 = arith.index_cast %scan3A_120 : i32 to index
      %swap3A_134 = tpu.vector_load %arg8[%swap3A_133] masked %eq3A_131 {strides = array<i32>} : memref<1040xi32, #tpu.memory_space<vmem>>, vector<16xi32>, vector<16xi1>
      tpu.vector_store %arg8[%swap3A_133], %add3A_129 masked %eq3A_131 {strides = array<i32>} : memref<1040xi32, #tpu.memory_space<vmem>>, vector<16xi32>, vector<16xi1>
      %swap3A_135 = arith.index_cast %scan3A_121 : i32 to index
      %swap3A_136 = tpu.vector_load %arg9[%swap3A_135] masked %not3A_132 {strides = array<i32>} : memref<1040xi32, #tpu.memory_space<vmem>>, vector<16xi32>, vector<16xi1>
      tpu.vector_store %arg9[%swap3A_135], %add3A_129 masked %not3A_132 {strides = array<i32>} : memref<1040xi32, #tpu.memory_space<vmem>>, vector<16xi32>, vector<16xi1>
      %all_reduce_population_count3A = tpu.all_reduce %eq3A_131 {dim = 0 : i64, kind = #tpu.reduction_kind<sum>} : vector<16xi1> -> vector<16xi32>
      %slice3A = vector.extract_strided_slice %all_reduce_population_count3A {offsets = [0], sizes = [1], strides = [1]} : vector<16xi32> to vector<1xi32>
      %squeeze3A = vector.extract %slice3A[0] : i32 from vector<1xi32>
      %add3A_137 = arith.addi %scan3A_120, %squeeze3A : i32
      %sub3A_138 = arith.constant 16 : i32
      %sub3A_139 = arith.subi %sub3A_138, %squeeze3A : i32
      %add3A_140 = arith.addi %scan3A_121, %sub3A_139 : i32
      scf.yield %add3A_137, %add3A_140 : i32, i32
    }
    %scan3A_25 = arith.constant 64 : i32
    %mul3A_26 = arith.constant 0 : i32
    %mul3A_27 = vector.broadcast %mul3A_26 : i32 to vector<16xi32>
    %mul3A_28 = arith.muli %iota3A, %mul3A_27 : vector<16xi32>
    %gather3A = tpu.vector_load_idx %arg8[%mul3A_28] : memref<1040xi32, #tpu.memory_space<vmem>>[vector<16xi32>], vector<16xi32>,
    %swap3A = arith.index_cast %scan3A_24#0 : i32 to index
    %swap3A_29 = tpu.vector_load %arg8[%swap3A] {strides = array<i32>} : memref<1040xi32, #tpu.memory_space<vmem>>, vector<16xi32>,
    tpu.vector_store %arg8[%swap3A], %gather3A {strides = array<i32>} : memref<1040xi32, #tpu.memory_space<vmem>>, vector<16xi32>,
    %gather3A_30 = tpu.vector_load_idx %arg9[%mul3A_28] : memref<1040xi32, #tpu.memory_space<vmem>>[vector<16xi32>], vector<16xi32>,
    %swap3A_31 = arith.index_cast %scan3A_24#1 : i32 to index
    %swap3A_32 = tpu.vector_load %arg9[%swap3A_31] {strides = array<i32>} : memref<1040xi32, #tpu.memory_space<vmem>>, vector<16xi32>,
    tpu.vector_store %arg9[%swap3A_31], %gather3A_30 {strides = array<i32>} : memref<1040xi32, #tpu.memory_space<vmem>>, vector<16xi32>,
    %scan3A_33 = arith.constant 0 : i32
    %scan3A_34 = arith.constant 0 : i32
    %scan3A_35 = arith.constant 65 : i32
    %scan3A_36 = arith.addi %scan3A_34, %scan3A_35 : i32
    %scan3A_37 = arith.constant 1 : i32
    scf.for %scan3A_119 = %scan3A_34 to %scan3A_36 step %scan3A_37  : i32 {
      %mul3A_120 = arith.constant 16 : i32
      %mul3A_121 = arith.muli %scan3A_119, %mul3A_120 : i32
      %get3A = arith.index_cast %mul3A_121 : i32 to index
      %get3A_122 = tpu.vector_load %arg8[%get3A] {strides = array<i32>} : memref<1040xi32, #tpu.memory_space<vmem>>, vector<16xi32>,
      %swap3A_123 = arith.index_cast %scan3A_119 : i32 to index
      %swap3A_124 = arith.constant 0 : index
      %swap3A_125 = tpu.vector_load %arg10[%swap3A_123, %swap3A_124] {strides = array<i32>} : memref<65x16xi32, #tpu.memory_space<vmem>>, vector<16xi32>,
      tpu.vector_store %arg10[%swap3A_123, %swap3A_124], %get3A_122 {strides = array<i32>} : memref<65x16xi32, #tpu.memory_space<vmem>>, vector<16xi32>,
      %mul3A_126 = arith.constant 16 : i32
      %mul3A_127 = arith.muli %scan3A_119, %mul3A_126 : i32
      %get3A_128 = arith.index_cast %mul3A_127 : i32 to index
      %get3A_129 = tpu.vector_load %arg9[%get3A_128] {strides = array<i32>} : memref<1040xi32, #tpu.memory_space<vmem>>, vector<16xi32>,
      %swap3A_130 = arith.index_cast %scan3A_119 : i32 to index
      %swap3A_131 = arith.constant 0 : index
      %swap3A_132 = tpu.vector_load %arg11[%swap3A_130, %swap3A_131] {strides = array<i32>} : memref<65x16xi32, #tpu.memory_space<vmem>>, vector<16xi32>,
      tpu.vector_store %arg11[%swap3A_130, %swap3A_131], %get3A_129 {strides = array<i32>} : memref<65x16xi32, #tpu.memory_space<vmem>>, vector<16xi32>,
    }
    %scan3A_38 = arith.constant 65 : i32
    %add3A_39 = arith.constant 15 : i32
    %add3A_40 = arith.addi %scan3A_24#0, %add3A_39 : i32
    %jit3A = arith.constant 16 : i32
    %div3A = arith.divsi %add3A_40, %jit3A : i32
    %sign3A = arith.constant 0 : i32
    %sign3A_41 = arith.cmpi sgt, %add3A_40, %sign3A : i32
    %sign3A_42 = arith.extui %sign3A_41 : i1 to i32
    %sign3A_43 = arith.constant 0 : i32
    %sign3A_44 = arith.cmpi slt, %add3A_40, %sign3A_43 : i32
    %sign3A_45 = arith.extui %sign3A_44 : i1 to i32
    %sign3A_46 = arith.subi %sign3A_42, %sign3A_45 : i32
    %sign3A_47 = arith.constant 0 : i32
    %sign3A_48 = arith.cmpi sgt, %jit3A, %sign3A_47 : i32
    %sign3A_49 = arith.extui %sign3A_48 : i1 to i32
    %sign3A_50 = arith.constant 0 : i32
    %sign3A_51 = arith.cmpi slt, %jit3A, %sign3A_50 : i32
    %sign3A_52 = arith.extui %sign3A_51 : i1 to i32
    %sign3A_53 = arith.subi %sign3A_49, %sign3A_52 : i32
    %ne3A = arith.cmpi ne, %sign3A_46, %sign3A_53 : i32
    %rem3A = arith.remsi %add3A_40, %jit3A : i32
    %ne3A_54 = arith.constant 0 : i32
    %ne3A_55 = arith.cmpi ne, %rem3A, %ne3A_54 : i32
    %and3A = arith.andi %ne3A, %ne3A_55 : i1
    %sub3A = arith.constant 1 : i32
    %sub3A_56 = arith.subi %div3A, %sub3A : i32
    %select_n3A = arith.select %and3A, %sub3A_56, %div3A : i32
    %add3A_57 = arith.constant 15 : i32
    %add3A_58 = arith.addi %scan3A_24#1, %add3A_57 : i32
    %jit3A_59 = arith.constant 16 : i32
    %div3A_60 = arith.divsi %add3A_58, %jit3A_59 : i32
    %sign3A_61 = arith.constant 0 : i32
    %sign3A_62 = arith.cmpi sgt, %add3A_58, %sign3A_61 : i32
    %sign3A_63 = arith.extui %sign3A_62 : i1 to i32
    %sign3A_64 = arith.constant 0 : i32
    %sign3A_65 = arith.cmpi slt, %add3A_58, %sign3A_64 : i32
    %sign3A_66 = arith.extui %sign3A_65 : i1 to i32
    %sign3A_67 = arith.subi %sign3A_63, %sign3A_66 : i32
    %sign3A_68 = arith.constant 0 : i32
    %sign3A_69 = arith.cmpi sgt, %jit3A_59, %sign3A_68 : i32
    %sign3A_70 = arith.extui %sign3A_69 : i1 to i32
    %sign3A_71 = arith.constant 0 : i32
    %sign3A_72 = arith.cmpi slt, %jit3A_59, %sign3A_71 : i32
    %sign3A_73 = arith.extui %sign3A_72 : i1 to i32
    %sign3A_74 = arith.subi %sign3A_70, %sign3A_73 : i32
    %ne3A_75 = arith.cmpi ne, %sign3A_67, %sign3A_74 : i32
    %rem3A_76 = arith.remsi %add3A_58, %jit3A_59 : i32
    %ne3A_77 = arith.constant 0 : i32
    %ne3A_78 = arith.cmpi ne, %rem3A_76, %ne3A_77 : i32
    %and3A_79 = arith.andi %ne3A_75, %ne3A_78 : i1
    %sub3A_80 = arith.constant 1 : i32
    %sub3A_81 = arith.subi %div3A_60, %sub3A_80 : i32
    %select_n3A_82 = arith.select %and3A_79, %sub3A_81, %div3A_60 : i32
    %while3A = arith.constant 0 : i32
    %while3A_83 = arith.constant 0 : i32
    %while3A_84 = arith.subi %select_n3A, %while3A_83 : i32
    %while3A_85 = arith.addi %while3A_83, %while3A_84 : i32
    %while3A_86 = arith.constant 1 : i32
    %while3A_87 = arith.divsi %while3A_84, %while3A_86 : i32
    %while3A_88 = arith.muli %while3A_87, %while3A_86 : i32
    %while3A_89 = arith.addi %while3A_83, %while3A_88 : i32
    %while3A_90 = arith.constant 1 : i32
    scf.for %while3A_119 = %while3A_83 to %while3A_89 step %while3A_90  : i32 {
      %dma_start3A_120 = arith.constant 0 : i32
      %dma_start3A_121 = tpu.memref_slice %arg10[%while3A_119, %dma_start3A_120] : memref<65x16xi32, #tpu.memory_space<vmem>> -> memref<1x16xi32, #tpu.memory_space<vmem>>
      %dma_start3A_122 = tpu.memref_squeeze %dma_start3A_121 : memref<1x16xi32, #tpu.memory_space<vmem>> -> memref<16xi32, #tpu.memory_space<vmem>>
      %dma_start3A_123 = arith.constant 0 : i32
      %dma_start3A_124 = arith.constant 0 : i32
      %dma_start3A_125 = tpu.memref_slice %arg4[%dma_start3A_123, %dma_start3A_124] : memref<32768x2048xf32, #tpu.memory_space<hbm>> -> memref<32768x2048xf32, #tpu.memory_space<hbm>>
      tpu.enqueue_indirect_dma source(%arg6 : memref<16x2048xf32, #tpu.memory_space<vmem>>) target(%dma_start3A_125 : memref<32768x2048xf32, #tpu.memory_space<hbm>>) offsets(%dma_start3A_122 : memref<16xi32, #tpu.memory_space<vmem>>) semaphore(%arg13 : memref<!tpu.dma_semaphore, #tpu.memory_space<semaphore_mem>>)
    }
    %while3A_91 = arith.constant 1 : i32
    scf.for %while3A_119 = %while3A_89 to %while3A_85 step %while3A_91  : i32 {
      %dma_start3A_120 = arith.constant 0 : i32
      %dma_start3A_121 = tpu.memref_slice %arg10[%while3A_119, %dma_start3A_120] : memref<65x16xi32, #tpu.memory_space<vmem>> -> memref<1x16xi32, #tpu.memory_space<vmem>>
      %dma_start3A_122 = tpu.memref_squeeze %dma_start3A_121 : memref<1x16xi32, #tpu.memory_space<vmem>> -> memref<16xi32, #tpu.memory_space<vmem>>
      %dma_start3A_123 = arith.constant 0 : i32
      %dma_start3A_124 = arith.constant 0 : i32
      %dma_start3A_125 = tpu.memref_slice %arg4[%dma_start3A_123, %dma_start3A_124] : memref<32768x2048xf32, #tpu.memory_space<hbm>> -> memref<32768x2048xf32, #tpu.memory_space<hbm>>
      tpu.enqueue_indirect_dma source(%arg6 : memref<16x2048xf32, #tpu.memory_space<vmem>>) target(%dma_start3A_125 : memref<32768x2048xf32, #tpu.memory_space<hbm>>) offsets(%dma_start3A_122 : memref<16xi32, #tpu.memory_space<vmem>>) semaphore(%arg13 : memref<!tpu.dma_semaphore, #tpu.memory_space<semaphore_mem>>)
    }
    %scan3A_92 = arith.constant 0 : i32
    %scan3A_93 = arith.constant 0 : i32
    %scan3A_94 = arith.constant 128 : i32
    %scan3A_95 = arith.addi %scan3A_93, %scan3A_94 : i32
    %scan3A_96 = arith.constant 1 : i32
    scf.for %scan3A_119 = %scan3A_93 to %scan3A_95 step %scan3A_96  : i32 {
      %mul3A_120 = arith.constant 16 : i32
      %mul3A_121 = arith.muli %scan3A_119, %mul3A_120 : i32
      %get3A = arith.constant 1 : i32
      %get3A_122 = arith.index_cast %get3A : i32 to index
      %get3A_123 = arith.index_cast %mul3A_121 : i32 to index
      %get3A_124 = tpu.vector_load %arg12[%get3A_122, %get3A_123] {strides = array<i32>} : memref<2x2048xf32, #tpu.memory_space<vmem>>, vector<16xf32>,
      %mul3A_125 = arith.constant 16 : i32
      %mul3A_126 = arith.muli %scan3A_119, %mul3A_125 : i32
      %swap3A_127 = arith.constant 0 : i32
      %swap3A_128 = arith.index_cast %swap3A_127 : i32 to index
      %swap3A_129 = arith.index_cast %mul3A_126 : i32 to index
      %swap3A_130 = tpu.vector_load %arg7[%swap3A_128, %swap3A_129] {strides = array<i32>} : memref<16x2048xf32, #tpu.memory_space<vmem>>, vector<16xf32>,
      tpu.vector_store %arg7[%swap3A_128, %swap3A_129], %get3A_124 {strides = array<i32>} : memref<16x2048xf32, #tpu.memory_space<vmem>>, vector<16xf32>,
      %mul3A_131 = arith.constant 16 : i32
      %mul3A_132 = arith.muli %scan3A_119, %mul3A_131 : i32
      %swap3A_133 = arith.constant 1 : i32
      %swap3A_134 = arith.index_cast %swap3A_133 : i32 to index
      %swap3A_135 = arith.index_cast %mul3A_132 : i32 to index
      %swap3A_136 = tpu.vector_load %arg7[%swap3A_134, %swap3A_135] {strides = array<i32>} : memref<16x2048xf32, #tpu.memory_space<vmem>>, vector<16xf32>,
      tpu.vector_store %arg7[%swap3A_134, %swap3A_135], %get3A_124 {strides = array<i32>} : memref<16x2048xf32, #tpu.memory_space<vmem>>, vector<16xf32>,
      %mul3A_137 = arith.constant 16 : i32
      %mul3A_138 = arith.muli %scan3A_119, %mul3A_137 : i32
      %swap3A_139 = arith.constant 2 : i32
      %swap3A_140 = arith.index_cast %swap3A_139 : i32 to index
      %swap3A_141 = arith.index_cast %mul3A_138 : i32 to index
      %swap3A_142 = tpu.vector_load %arg7[%swap3A_140, %swap3A_141] {strides = array<i32>} : memref<16x2048xf32, #tpu.memory_space<vmem>>, vector<16xf32>,
      tpu.vector_store %arg7[%swap3A_140, %swap3A_141], %get3A_124 {strides = array<i32>} : memref<16x2048xf32, #tpu.memory_space<vmem>>, vector<16xf32>,
      %mul3A_143 = arith.constant 16 : i32
      %mul3A_144 = arith.muli %scan3A_119, %mul3A_143 : i32
      %swap3A_145 = arith.constant 3 : i32
      %swap3A_146 = arith.index_cast %swap3A_145 : i32 to index
      %swap3A_147 = arith.index_cast %mul3A_144 : i32 to index
      %swap3A_148 = tpu.vector_load %arg7[%swap3A_146, %swap3A_147] {strides = array<i32>} : memref<16x2048xf32, #tpu.memory_space<vmem>>, vector<16xf32>,
      tpu.vector_store %arg7[%swap3A_146, %swap3A_147], %get3A_124 {strides = array<i32>} : memref<16x2048xf32, #tpu.memory_space<vmem>>, vector<16xf32>,
      %mul3A_149 = arith.constant 16 : i32
      %mul3A_150 = arith.muli %scan3A_119, %mul3A_149 : i32
      %swap3A_151 = arith.constant 4 : i32
      %swap3A_152 = arith.index_cast %swap3A_151 : i32 to index
      %swap3A_153 = arith.index_cast %mul3A_150 : i32 to index
      %swap3A_154 = tpu.vector_load %arg7[%swap3A_152, %swap3A_153] {strides = array<i32>} : memref<16x2048xf32, #tpu.memory_space<vmem>>, vector<16xf32>,
      tpu.vector_store %arg7[%swap3A_152, %swap3A_153], %get3A_124 {strides = array<i32>} : memref<16x2048xf32, #tpu.memory_space<vmem>>, vector<16xf32>,
      %mul3A_155 = arith.constant 16 : i32
      %mul3A_156 = arith.muli %scan3A_119, %mul3A_155 : i32
      %swap3A_157 = arith.constant 5 : i32
      %swap3A_158 = arith.index_cast %swap3A_157 : i32 to index
      %swap3A_159 = arith.index_cast %mul3A_156 : i32 to index
      %swap3A_160 = tpu.vector_load %arg7[%swap3A_158, %swap3A_159] {strides = array<i32>} : memref<16x2048xf32, #tpu.memory_space<vmem>>, vector<16xf32>,
      tpu.vector_store %arg7[%swap3A_158, %swap3A_159], %get3A_124 {strides = array<i32>} : memref<16x2048xf32, #tpu.memory_space<vmem>>, vector<16xf32>,
      %mul3A_161 = arith.constant 16 : i32
      %mul3A_162 = arith.muli %scan3A_119, %mul3A_161 : i32
      %swap3A_163 = arith.constant 6 : i32
      %swap3A_164 = arith.index_cast %swap3A_163 : i32 to index
      %swap3A_165 = arith.index_cast %mul3A_162 : i32 to index
      %swap3A_166 = tpu.vector_load %arg7[%swap3A_164, %swap3A_165] {strides = array<i32>} : memref<16x2048xf32, #tpu.memory_space<vmem>>, vector<16xf32>,
      tpu.vector_store %arg7[%swap3A_164, %swap3A_165], %get3A_124 {strides = array<i32>} : memref<16x2048xf32, #tpu.memory_space<vmem>>, vector<16xf32>,
      %mul3A_167 = arith.constant 16 : i32
      %mul3A_168 = arith.muli %scan3A_119, %mul3A_167 : i32
      %swap3A_169 = arith.constant 7 : i32
      %swap3A_170 = arith.index_cast %swap3A_169 : i32 to index
      %swap3A_171 = arith.index_cast %mul3A_168 : i32 to index
      %swap3A_172 = tpu.vector_load %arg7[%swap3A_170, %swap3A_171] {strides = array<i32>} : memref<16x2048xf32, #tpu.memory_space<vmem>>, vector<16xf32>,
      tpu.vector_store %arg7[%swap3A_170, %swap3A_171], %get3A_124 {strides = array<i32>} : memref<16x2048xf32, #tpu.memory_space<vmem>>, vector<16xf32>,
      %mul3A_173 = arith.constant 16 : i32
      %mul3A_174 = arith.muli %scan3A_119, %mul3A_173 : i32
      %swap3A_175 = arith.constant 8 : i32
      %swap3A_176 = arith.index_cast %swap3A_175 : i32 to index
      %swap3A_177 = arith.index_cast %mul3A_174 : i32 to index
      %swap3A_178 = tpu.vector_load %arg7[%swap3A_176, %swap3A_177] {strides = array<i32>} : memref<16x2048xf32, #tpu.memory_space<vmem>>, vector<16xf32>,
      tpu.vector_store %arg7[%swap3A_176, %swap3A_177], %get3A_124 {strides = array<i32>} : memref<16x2048xf32, #tpu.memory_space<vmem>>, vector<16xf32>,
      %mul3A_179 = arith.constant 16 : i32
      %mul3A_180 = arith.muli %scan3A_119, %mul3A_179 : i32
      %swap3A_181 = arith.constant 9 : i32
      %swap3A_182 = arith.index_cast %swap3A_181 : i32 to index
      %swap3A_183 = arith.index_cast %mul3A_180 : i32 to index
      %swap3A_184 = tpu.vector_load %arg7[%swap3A_182, %swap3A_183] {strides = array<i32>} : memref<16x2048xf32, #tpu.memory_space<vmem>>, vector<16xf32>,
      tpu.vector_store %arg7[%swap3A_182, %swap3A_183], %get3A_124 {strides = array<i32>} : memref<16x2048xf32, #tpu.memory_space<vmem>>, vector<16xf32>,
      %mul3A_185 = arith.constant 16 : i32
      %mul3A_186 = arith.muli %scan3A_119, %mul3A_185 : i32
      %swap3A_187 = arith.constant 10 : i32
      %swap3A_188 = arith.index_cast %swap3A_187 : i32 to index
      %swap3A_189 = arith.index_cast %mul3A_186 : i32 to index
      %swap3A_190 = tpu.vector_load %arg7[%swap3A_188, %swap3A_189] {strides = array<i32>} : memref<16x2048xf32, #tpu.memory_space<vmem>>, vector<16xf32>,
      tpu.vector_store %arg7[%swap3A_188, %swap3A_189], %get3A_124 {strides = array<i32>} : memref<16x2048xf32, #tpu.memory_space<vmem>>, vector<16xf32>,
      %mul3A_191 = arith.constant 16 : i32
      %mul3A_192 = arith.muli %scan3A_119, %mul3A_191 : i32
      %swap3A_193 = arith.constant 11 : i32
      %swap3A_194 = arith.index_cast %swap3A_193 : i32 to index
      %swap3A_195 = arith.index_cast %mul3A_192 : i32 to index
      %swap3A_196 = tpu.vector_load %arg7[%swap3A_194, %swap3A_195] {strides = array<i32>} : memref<16x2048xf32, #tpu.memory_space<vmem>>, vector<16xf32>,
      tpu.vector_store %arg7[%swap3A_194, %swap3A_195], %get3A_124 {strides = array<i32>} : memref<16x2048xf32, #tpu.memory_space<vmem>>, vector<16xf32>,
      %mul3A_197 = arith.constant 16 : i32
      %mul3A_198 = arith.muli %scan3A_119, %mul3A_197 : i32
      %swap3A_199 = arith.constant 12 : i32
      %swap3A_200 = arith.index_cast %swap3A_199 : i32 to index
      %swap3A_201 = arith.index_cast %mul3A_198 : i32 to index
      %swap3A_202 = tpu.vector_load %arg7[%swap3A_200, %swap3A_201] {strides = array<i32>} : memref<16x2048xf32, #tpu.memory_space<vmem>>, vector<16xf32>,
      tpu.vector_store %arg7[%swap3A_200, %swap3A_201], %get3A_124 {strides = array<i32>} : memref<16x2048xf32, #tpu.memory_space<vmem>>, vector<16xf32>,
      %mul3A_203 = arith.constant 16 : i32
      %mul3A_204 = arith.muli %scan3A_119, %mul3A_203 : i32
      %swap3A_205 = arith.constant 13 : i32
      %swap3A_206 = arith.index_cast %swap3A_205 : i32 to index
      %swap3A_207 = arith.index_cast %mul3A_204 : i32 to index
      %swap3A_208 = tpu.vector_load %arg7[%swap3A_206, %swap3A_207] {strides = array<i32>} : memref<16x2048xf32, #tpu.memory_space<vmem>>, vector<16xf32>,
      tpu.vector_store %arg7[%swap3A_206, %swap3A_207], %get3A_124 {strides = array<i32>} : memref<16x2048xf32, #tpu.memory_space<vmem>>, vector<16xf32>,
      %mul3A_209 = arith.constant 16 : i32
      %mul3A_210 = arith.muli %scan3A_119, %mul3A_209 : i32
      %swap3A_211 = arith.constant 14 : i32
      %swap3A_212 = arith.index_cast %swap3A_211 : i32 to index
      %swap3A_213 = arith.index_cast %mul3A_210 : i32 to index
      %swap3A_214 = tpu.vector_load %arg7[%swap3A_212, %swap3A_213] {strides = array<i32>} : memref<16x2048xf32, #tpu.memory_space<vmem>>, vector<16xf32>,
      tpu.vector_store %arg7[%swap3A_212, %swap3A_213], %get3A_124 {strides = array<i32>} : memref<16x2048xf32, #tpu.memory_space<vmem>>, vector<16xf32>,
      %mul3A_215 = arith.constant 16 : i32
      %mul3A_216 = arith.muli %scan3A_119, %mul3A_215 : i32
      %swap3A_217 = arith.constant 15 : i32
      %swap3A_218 = arith.index_cast %swap3A_217 : i32 to index
      %swap3A_219 = arith.index_cast %mul3A_216 : i32 to index
      %swap3A_220 = tpu.vector_load %arg7[%swap3A_218, %swap3A_219] {strides = array<i32>} : memref<16x2048xf32, #tpu.memory_space<vmem>>, vector<16xf32>,
      tpu.vector_store %arg7[%swap3A_218, %swap3A_219], %get3A_124 {strides = array<i32>} : memref<16x2048xf32, #tpu.memory_space<vmem>>, vector<16xf32>,
    }
    %scan3A_97 = arith.constant 128 : i32
    %while3A_98 = arith.constant 0 : i32
    %while3A_99 = arith.constant 0 : i32
    %while3A_100 = arith.subi %select_n3A_82, %while3A_99 : i32
    %while3A_101 = arith.addi %while3A_99, %while3A_100 : i32
    %while3A_102 = arith.constant 1 : i32
    %while3A_103 = arith.divsi %while3A_100, %while3A_102 : i32
    %while3A_104 = arith.muli %while3A_103, %while3A_102 : i32
    %while3A_105 = arith.addi %while3A_99, %while3A_104 : i32
    %while3A_106 = arith.constant 1 : i32
    scf.for %while3A_119 = %while3A_99 to %while3A_105 step %while3A_106  : i32 {
      %dma_start3A_120 = arith.constant 0 : i32
      %dma_start3A_121 = tpu.memref_slice %arg11[%while3A_119, %dma_start3A_120] : memref<65x16xi32, #tpu.memory_space<vmem>> -> memref<1x16xi32, #tpu.memory_space<vmem>>
      %dma_start3A_122 = tpu.memref_squeeze %dma_start3A_121 : memref<1x16xi32, #tpu.memory_space<vmem>> -> memref<16xi32, #tpu.memory_space<vmem>>
      %dma_start3A_123 = arith.constant 0 : i32
      %dma_start3A_124 = arith.constant 0 : i32
      %dma_start3A_125 = tpu.memref_slice %arg4[%dma_start3A_123, %dma_start3A_124] : memref<32768x2048xf32, #tpu.memory_space<hbm>> -> memref<32768x2048xf32, #tpu.memory_space<hbm>>
      tpu.enqueue_indirect_dma source(%arg7 : memref<16x2048xf32, #tpu.memory_space<vmem>>) target(%dma_start3A_125 : memref<32768x2048xf32, #tpu.memory_space<hbm>>) offsets(%dma_start3A_122 : memref<16xi32, #tpu.memory_space<vmem>>) semaphore(%arg13 : memref<!tpu.dma_semaphore, #tpu.memory_space<semaphore_mem>>)
    }
    %while3A_107 = arith.constant 1 : i32
    scf.for %while3A_119 = %while3A_105 to %while3A_101 step %while3A_107  : i32 {
      %dma_start3A_120 = arith.constant 0 : i32
      %dma_start3A_121 = tpu.memref_slice %arg11[%while3A_119, %dma_start3A_120] : memref<65x16xi32, #tpu.memory_space<vmem>> -> memref<1x16xi32, #tpu.memory_space<vmem>>
      %dma_start3A_122 = tpu.memref_squeeze %dma_start3A_121 : memref<1x16xi32, #tpu.memory_space<vmem>> -> memref<16xi32, #tpu.memory_space<vmem>>
      %dma_start3A_123 = arith.constant 0 : i32
      %dma_start3A_124 = arith.constant 0 : i32
      %dma_start3A_125 = tpu.memref_slice %arg4[%dma_start3A_123, %dma_start3A_124] : memref<32768x2048xf32, #tpu.memory_space<hbm>> -> memref<32768x2048xf32, #tpu.memory_space<hbm>>
      tpu.enqueue_indirect_dma source(%arg7 : memref<16x2048xf32, #tpu.memory_space<vmem>>) target(%dma_start3A_125 : memref<32768x2048xf32, #tpu.memory_space<hbm>>) offsets(%dma_start3A_122 : memref<16xi32, #tpu.memory_space<vmem>>) semaphore(%arg13 : memref<!tpu.dma_semaphore, #tpu.memory_space<semaphore_mem>>)
    }
    %add3A_108 = arith.addi %select_n3A, %select_n3A_82 : i32
    %while3A_109 = arith.constant 0 : i32
    %while3A_110 = arith.constant 0 : i32
    %while3A_111 = arith.subi %add3A_108, %while3A_110 : i32
    %while3A_112 = arith.addi %while3A_110, %while3A_111 : i32
    %while3A_113 = arith.constant 1 : i32
    %while3A_114 = arith.divsi %while3A_111, %while3A_113 : i32
    %while3A_115 = arith.muli %while3A_114, %while3A_113 : i32
    %while3A_116 = arith.addi %while3A_110, %while3A_115 : i32
    %while3A_117 = arith.constant 1 : i32
    scf.for %while3A_119 = %while3A_110 to %while3A_116 step %while3A_117  : i32 {
      %dma_wait3A_120 = arith.constant 0 : i32
      %dma_wait3A_121 = arith.constant 0 : i32
      %dma_wait3A_122 = tpu.memref_slice %arg10[%dma_wait3A_120, %dma_wait3A_121] : memref<65x16xi32, #tpu.memory_space<vmem>> -> memref<1x16xi32, #tpu.memory_space<vmem>>
      %dma_wait3A_123 = tpu.memref_squeeze %dma_wait3A_122 : memref<1x16xi32, #tpu.memory_space<vmem>> -> memref<16xi32, #tpu.memory_space<vmem>>
      %dma_wait3A_124 = arith.constant 0 : i32
      %dma_wait3A_125 = arith.constant 0 : i32
      %dma_wait3A_126 = tpu.memref_slice %arg4[%dma_wait3A_124, %dma_wait3A_125] : memref<32768x2048xf32, #tpu.memory_space<hbm>> -> memref<32768x2048xf32, #tpu.memory_space<hbm>>
      tpu.wait_indirect_dma semaphore(%arg13 : memref<!tpu.dma_semaphore, #tpu.memory_space<semaphore_mem>>) src(%arg6 : memref<16x2048xf32, #tpu.memory_space<vmem>>) dst(%dma_wait3A_126 : memref<32768x2048xf32, #tpu.memory_space<hbm>>)
    }
    %while3A_118 = arith.constant 1 : i32
    scf.for %while3A_119 = %while3A_116 to %while3A_112 step %while3A_118  : i32 {
      %dma_wait3A_120 = arith.constant 0 : i32
      %dma_wait3A_121 = arith.constant 0 : i32
      %dma_wait3A_122 = tpu.memref_slice %arg10[%dma_wait3A_120, %dma_wait3A_121] : memref<65x16xi32, #tpu.memory_space<vmem>> -> memref<1x16xi32, #tpu.memory_space<vmem>>
      %dma_wait3A_123 = tpu.memref_squeeze %dma_wait3A_122 : memref<1x16xi32, #tpu.memory_space<vmem>> -> memref<16xi32, #tpu.memory_space<vmem>>
      %dma_wait3A_124 = arith.constant 0 : i32
      %dma_wait3A_125 = arith.constant 0 : i32
      %dma_wait3A_126 = tpu.memref_slice %arg4[%dma_wait3A_124, %dma_wait3A_125] : memref<32768x2048xf32, #tpu.memory_space<hbm>> -> memref<32768x2048xf32, #tpu.memory_space<hbm>>
      tpu.wait_indirect_dma semaphore(%arg13 : memref<!tpu.dma_semaphore, #tpu.memory_space<semaphore_mem>>) src(%arg6 : memref<16x2048xf32, #tpu.memory_space<vmem>>) dst(%dma_wait3A_126 : memref<32768x2048xf32, #tpu.memory_space<hbm>>)
    }
    return
  }
}

</mosaic_0001>

<sc_bundles>
// kernel: kernel.3.cloned.1.call-start
scs
__scs_entry_jumppad:
0x0: {  	(pc) =	sbr.rel $0x88, $3  }
0x1: {  	(tag) =	ssettag $0x0;
	lr =	simm.s32 $0x1  }
0x2: {  	[smem:$0x3F9F] =	sst lr;
	_ =	strace $0xD0000000  }
0x3: {  	_ = 	snop  }
0x4: {  	_ = 	snop  }
0x5: {  	_ = 	snop  }
0x6: {  	_ = 	snop  }
0x7: {  	_ = 	snop  }
__scs_overlays_trampoline_lowered:
0x8: {  	[smem:$0x3FAE] =	sst s0  }
0x9: {  	[smem:$0x3FAF] =	sst s1  }
0xa: {  	[smem:$0x3FB0] =	sst s2  }
0xb: {  	[smem:$0x3FB1] =	sst s3  }
0xc: {  	[smem:$0x3FB2] =	sst s4  }
0xd: {  	[smem:$0x3FB3] =	sst s5  }
0xe: {  	[smem:$0x3FB4] =	sst s6  }
0xf: {  	[smem:$0x3FB5] =	sst s7  }
0x10: {  	[smem:$0x3FB6] =	sst s8  }
0x11: {  	[smem:$0x3FB7] =	sst s9;
	s0 =	simm.s32 @!p0 $0x0  }
0x12: {  	s1 =	sld [smem:$0x3F9D];
	s0 =	simm.s32 @p0 $0x1  }
0x13: {  	[smem:$0x3FB8] =	sst s0;
	s0 =	simm.s32 @!p1 $0x0  }
0x14: {  	s2 =	sld [smem:$0x3F9C];
	s0 =	simm.s32 @p1 $0x1  }
0x15: {  	[smem:$0x3FB9] =	sst s0;
	s0 =	simm.s32 @!p2 $0x0  }
0x16: {  	s3 =	sld [smem:$0x3FDB];
	s0 =	simm.s32 @p2 $0x1  }
0x17: {  	s4 =	simm.s32 $0x1BF5;
	[smem:$0x3FBB] =	sst s0  }
0x18: {  	s0 =	sld [smem:$0x3F9E];
	_ =	swait.ge [sflag:s4], $0x0  }
0x19: {  	s7 =	sld [smem:$0x3F9F]  }
0x1a: {  	s8 =	sadd.s32 $0xFFFFE003, lr  }
0x1b: {  	s9 =	sadd.s32 $0xFFFFFEF7, lr;
	s5 =	simm.s32 $0xFFFFFFFF;
	p2 =	slt.u32 s8, $0xFFFFF086  }
0x1c: {  	p1 =	slt.u32 s9, $0xF7A;
	s5 =	simm.s32 @!p2 $0x0  }
0x1d: {  	s5 =	simm.s32 @p1 $0x1;
	p0 =	seq.s32 s7, s2  }
0x1e: {  	s7 =	smul.u32 @!p0 $0xF7A, s2;
	p2 =	seq.s32 @!p0 s5, $0x0  }
0x1f: {  	s9 =	smul.u32 $0xF7A, s1;
	s8 =	simm.s32 @!p0 $0x1BF5;
	p2 =	por !p2, p0  }
0x20: {  	[sflag:s8] =	ssyncset.s32 @!p0 $0xFFFFF086;
	s6 =	sadd.s32 @!p0 s3, s7;
	s7 =	simm.s32 @!p0 $0x108  }
0x21: {  	s3 =	sadd.s32 s3, s9;
	s6 =	sadd.s32 @!p0 $0x88, s6;
	s7 =	simm.s32 @p2 $0x1082  }
0x22: {  	[simem:s7], [sflag:s8] =	dma.local @!p0 [hbm:s6], $0xF7A  }
0x23: {  	s9 =	sor.u32 $0xD0000000, s2;
	s6 =	simm.s32 $0x108;
	_ =	swait.ge @!p0 [sflag:s8], $0x0  }
0x24: {  	s3 =	sadd.s32 $0x88, s3;
	s6 =	simm.s32 @!p1 $0x1082;
	[sflag:s4] =	ssyncset.s32 $0xFFFFF086  }
0x25: {  	[simem:s6], [sflag:s4] =	dma.local [hbm:s3], $0xF7A  }
0x26: {  	[smem:$0x3F9F] =	sst s1;
	(tag) =	ssettag s2;
	_ =	strace s9  }
0x27: {  	s1 =	sld [smem:$0x3FAF]  }
0x28: {  	s2 =	sld [smem:$0x3FB0]  }
0x29: {  	s4 =	sld [smem:$0x3FB2]  }
0x2a: {  	p0 =	seq.s32 s5, $0x0;
	s5 =	sld [smem:$0x3FB3]  }
0x2b: {  	s6 =	sld [smem:$0x3FB4]  }
0x2c: {  	s7 =	sld [smem:$0x3FB5]  }
0x2d: {  	s3 =	simm.s32 $0x108;
	s8 =	sld [smem:$0x3FB6]  }
0x2e: {  	s3 =	simm.s32 @!p0 $0x1082;
	s9 =	sld [smem:$0x3FB7]  }
0x2f: {  	lr =	sadd.s32 s0, s3;
	s0 =	sld [smem:$0x3FAE]  }
0x30: {  	s3 =	sld [smem:$0x3FB1]  }
0x31: {  	[smem:$0x3FBA] =	sst s10  }
0x32: {  	s10 =	sld [smem:$0x3FB8];
	_ =	sdelay $0x3  }
0x33: {  	p0 =	seq.s32 s10, $0x1;
	s10 =	sld [smem:$0x3FBA];
	_ =	sdelay $0x3  }
0x34: {  	[smem:$0x3FBA] =	sst s10  }
0x35: {  	s10 =	sld [smem:$0x3FB9];
	_ =	sdelay $0x3  }
0x36: {  	p1 =	seq.s32 s10, $0x1;
	s10 =	sld [smem:$0x3FBA];
	_ =	sdelay $0x3  }
0x37: {  	[smem:$0x3FBA] =	sst s10  }
0x38: {  	s10 =	sld [smem:$0x3FBB]  }
0x39: {  	_ = 	snop;
	(pc) =	sbr.ind lr, $3  }
0x3a: {  	_ = 	snop  }
0x3b: {  	_ = 	snop  }
0x3c: {  	p2 =	seq.s32 s10, $0x1;
	s10 =	sld [smem:$0x3FBA]  }
0x3d: {  	_ =	shalt  }
0x3e: {  	_ =	shalt  }
0x3f: {  	_ =	shalt  }
0x40: {  	_ =	shalt  }
0x41: {  	_ =	shalt  }
0x42: {  	_ =	shalt  }
0x43: {  	_ =	shalt  }
0x44: {  	_ =	shalt  }
0x45: {  	_ =	shalt  }
0x46: {  	_ =	shalt  }
0x47: {  	_ =	shalt  }
0x48: {  	_ =	shalt  }
0x49: {  	_ =	shalt  }
0x4a: {  	_ =	shalt  }
0x4b: {  	_ =	shalt  }
0x4c: {  	_ =	shalt  }
0x4d: {  	_ =	shalt  }
0x4e: {  	_ =	shalt  }
0x4f: {  	_ =	shalt  }
0x50: {  	_ =	shalt  }
0x51: {  	_ =	shalt  }
0x52: {  	_ =	shalt  }
0x53: {  	_ =	shalt  }
0x54: {  	_ =	shalt  }
0x55: {  	_ =	shalt  }
0x56: {  	_ =	shalt  }
0x57: {  	_ =	shalt  }
0x58: {  	_ =	shalt  }
0x59: {  	_ =	shalt  }
0x5a: {  	_ =	shalt  }
0x5b: {  	_ =	shalt  }
0x5c: {  	_ =	shalt  }
0x5d: {  	_ =	shalt  }
0x5e: {  	_ =	shalt  }
0x5f: {  	_ =	shalt  }
0x60: {  	_ =	shalt  }
0x61: {  	_ =	shalt  }
0x62: {  	_ =	shalt  }
0x63: {  	_ =	shalt  }
0x64: {  	_ =	shalt  }
0x65: {  	_ =	shalt  }
0x66: {  	_ =	shalt  }
0x67: {  	_ =	shalt  }
0x68: {  	_ =	shalt  }
0x69: {  	_ =	shalt  }
0x6a: {  	_ =	shalt  }
0x6b: {  	_ =	shalt  }
0x6c: {  	_ =	shalt  }
0x6d: {  	_ =	shalt  }
0x6e: {  	_ =	shalt  }
0x6f: {  	_ =	shalt  }
0x70: {  	_ =	shalt  }
0x71: {  	_ =	shalt  }
0x72: {  	_ =	shalt  }
0x73: {  	_ =	shalt  }
0x74: {  	_ =	shalt  }
0x75: {  	_ =	shalt  }
0x76: {  	_ =	shalt  }
0x77: {  	_ =	shalt  }
0x78: {  	_ =	shalt  }
0x79: {  	_ =	shalt  }
0x7a: {  	_ =	shalt  }
0x7b: {  	_ =	shalt  }
0x7c: {  	_ =	shalt  }
0x7d: {  	_ =	shalt  }
0x7e: {  	_ =	shalt  }
0x7f: {  	_ =	shalt  }
0x80: {  	_ =	shalt  }
0x81: {  	_ =	shalt  }
0x82: {  	_ =	shalt  }
0x83: {  	_ =	shalt  }
0x84: {  	_ =	shalt  }
0x85: {  	_ =	shalt  }
0x86: {  	_ =	shalt  }
0x87: {  	_ =	shalt  }
.Lfunc_end0:
.L_simem_size_0:
called_computation_lowered:
.L_overlay_start_0:
0x88: {  	s2 =	sld [smem:$0x3FD9]  }
0x89: {  	s3 =	sld [smem:$0x3FFE];
	_ =	sdelay $0x1  }
0x8a: {  	s1 =	srdreg.scid  }
0x8b: {  	s0 =	sand.u32 $0x1, s1  }
0x8c: {  	s17 =	sshll.u32 s0, $0xA;
	s2 =	sadd.s32 s3, s2  }
0x8d: {  	s2 =	sadd.s32 s2, s17  }
0x8e: {  	[smem:$0x3FC6] =	sst s2  }
0x8f: {  	_ = 	snop  }
0x90: {  	s2 =	sld [smem:$0x3FC8]  }
0x91: {  	s18 =	sld [smem:$0x3FD0];
	(tm) =	ssettm $0x1  }
0x92: {  	s4 =	sld [smem:$0x3FFB];
	_ =	sdelay $0x3  }
0x93: {  	_ =	strace s4  }
0x94: {  	s4 =	sld [smem:$0x3FFC];
	_ =	sdelay $0x3  }
0x95: {  	_ =	strace s4  }
0x96: {  	s4 =	sld [smem:$0x3FFD];
	_ =	sdelay $0x3  }
0x97: {  	_ =	strace s4  }
0x98: {  	_ =	strace $0x8FFFFFFF  }
0x99: {  	s19 =	sld [smem:$0x3FDB];
	_ =	sdelay $0x1  }
0x9a: {  	s5 =	simm.s32 $_scs_section_size  }
0x9b: {  	s6 =	simm.s32 $_size__tile_overlayer_lowered;
	s7 =	simm.s32 $_tile_overlayer_lowered  }
0x9c: {  	s22 =	simm.s32 $0x1BFF;
	s21 =	sshll.u32 s7, $0x1;
	s4 =	sadd.s32 s5, s19  }
0x9d: {  	s8 =	simm.s32 $0x0;
	s20 =	sshll.u32 s6, $0x1;
	s6 =	sadd.s32 s21, s4  }
0x9e: {  	[timem:s8], [sflag:s22] =	dma.local [hbm:s6], s20  }
0x9f: {  	_ =	swait.ge [sflag:s22], s20  }
0xa0: {  	s5 =	ssub.s32 $0x0, s20;
	[sflag:s22] =	ssyncset.done $0x0  }
0xa1: {  	[sflag:s22] =	ssyncadd.s32 s5;
	_ =	sdelay $0x1  }
0xa2: {  	s23 =	simm.s32 $0x1B8B  }
0xa3: {  	_ =	swait.ge [sflag:s23], $0x1  }
0xa4: {  	[sflag:s23] =	ssyncset.done $0x0  }
0xa5: {  	s25 =	simm.s32 $0x1B8E;
	s24 =	sld [smem:$0x3FFE];
	[sflag:s23] =	ssyncadd.s32 $0xFFFFFFFF  }
0xa6: {  	s26 =	simm.s32 $execute0_lowered;
	[smem:$0x3FD2] =	sst s25  }
0xa7: {  	s6 =	sshll.u32 s26, $0x1;
	_ =	strace $0x80000046;
	[dreg:$0x1] =	wrdreg $0xFFFFFFFF  }
0xa8: {  	s28 =	simm.s32 $_size_execute0_lowered;
	s4 =	sadd.s32 s4, s6;
	[dreg:$0x0] =	wrdreg $0x0  }
0xa9: {  	s6 =	sshll.u32 s28, $0x1;
	[dreg:$0x2] =	wrdreg s4  }
0xaa: {  	[dreg:$0x3] =	wrdreg s6  }
0xab: {  	[dreg:$0x4] =	wrdreg $0xC0  }
0xac: {  	_ =	task [dreg:s8], $0x5FFFF  }
0xad: {  	[dreg:$0x1] =	wrdreg $0xFFFFFFFF  }
0xae: {  	[dreg:$0x0] =	wrdreg $0x60  }
0xaf: {  	[dreg:$0x2] =	wrdreg s24  }
0xb0: {  	[dreg:$0x3] =	wrdreg s2  }
0xb1: {  	[dreg:$0x4] =	wrdreg s18  }
0xb2: {  	[dreg:$0x5] =	wrdreg $0x9  }
0xb3: {  	_ =	task.clear_ibuf [dreg:s8], $0x6FFFF;
	_ =	strace $0x90000046  }
0xb4: {  	s29 =	simm.s32 $0x9;
	_ =	strace $0x80000048  }
0xb5: {  	_ =	swait.ge [sflag:s29], $0x1  }
0xb6: {  	[sflag:s29] =	ssyncadd.s32 $0xFFFFFFFF  }
0xb7: {  	_ =	strace $0x90000048  }
0xb8: {  	_ =	sfence  }
0xb9: {  	s30 =	sld [smem:$0x0];
	_ =	sdelay $0x2  }
0xba: {  	s31 =	sshll.u32 s1, $0xD;
	s1 =	sshrl.u32 s1, $0x2  }
0xbb: {  	s3 =	sand.u32 $0x4000, s31;
	s1 =	sadd.s32 s1, s30  }
0xbc: {  	s0 =	sor.u32 s3, s0;
	s1 =	sshll.u32 s1, $0x11  }
0xbd: {  	s0 =	sor.u32 s1, s0  }
0xbe: {  	s0 =	sadd.s32 $0x8F2B, s0  }
0xbf: {  	[sflag:s0] =	ssyncadd.remote.s32 $0x1  }
0xc0: {  	_ =	sfence.sel $0xFFFF  }
0xc1: {  	[dreg:$0x0] =	wrdreg $0xFFFFFFFF;
	(pc) =	sbr.abs _section_cstart, $3  }
0xc2: {  	[dreg:$0x1] =	wrdreg $0xFFFFFFFF  }
0xc3: {  	_ =	task.clear_ibuf [dreg:s8], $0x2FFFF;
	_ =	strace $0x9FFFFFFF  }
0xc4: {  	(tm) =	ssettm $0x7FFFFFFF  }
0xc5: {  	_ =	shalt  }
tec
execute0_lowered:
.L_overlay_start_1:
0x0: {  	(tag) =	ssettag $0x1  }
0x1: {  	s0 =	srdreg.scid  }
0x2: {  	s1 =	rddreg [dreg:$0x0];
	s5 =	stileid.u32  }
0x3: {  	s3 =	rddreg [dreg:$0x2];
	s22 =	simm.s32 $0x1;
	s13 =	simm.s32 $0x8400  }
0x4: {  	s14 =	simm.s32 $0x8C00;
	s16 =	simm.s32 $0x9400;
	s18 =	simm.s32 $0x9C00  }
0x5: {  	s19 =	simm.s32 $0xA400;
	s23 =	simm.s32 $0xAC00;
	s24 =	simm.s32 $0xB400  }
0x6: {  	s28 =	simm.s32 $0xCC00;
	s29 =	simm.s32 $0xD400;
	s30 =	simm.s32 $0xDC00  }
0x7: {  	s31 =	simm.s32 $0xEC00;
	s0 =	sand.u32 $0x1, s0;
	s2 =	sshll.u32 s5, $0x8  }
0x8: {  	s5 =	sshll.u32 s5, $0xB;
	s8 =	sadd.s32 $0x300, s3;
	s9 =	sadd.s32 $0x400, s3  }
0x9: {  	s10 =	sadd.s32 $0x500, s3;
	s11 =	sadd.s32 $0x600, s3;
	s12 =	sadd.s32 $0x700, s3  }
0xa: {  	s4 =	sshll.u32 s0, $0x7;
	s6 =	ssub.s32 $0x2, s0;
	s0 =	sshll.u32 s0, $0xA  }
0xb: {  	s2 =	sor.u32 s4, s2;
	s4 =	simm.s32 $0x0;
	s7 =	sshrl.u32 s6, $0x1  }
0xc: {  	s0 =	sor.u32 s0, s5;
	s2 =	sor.u32 s2, s5;
	[smem:$0x7FF] =	sst s4  }
0xd: {  	s25 =	ssub.s32 s6, s7;
	s6 =	sadd.s32 $0x100, s3;
	s7 =	sadd.s32 $0x200, s3  }
.Ltmp0:
0xe: {  	s5 =	simm.s32 $0x0;
	s2 =	sand.u32 $0x6380, s2;
	(pc) =	sbr.rel .LBB2_1-.Ltmp0, $4  }
0xf: {  	_ =	strace $0x80000047;
	s26 =	smax.u32 s25, $0x1;
	s2 =	sshrl.u32 s2, $0x3  }
0x10: {  	v0 =	vlaneseq.u32;
	[dreg:$0x6] =	wrdreg s0;
	s25 =	simm.s32 $0xBC00;
	s1 =	sadd.s32 s2, s1  }
0x11: {  	vm0 =	vmmov $0xffff;
	v2 =	vshrl.u32 v0, $0x3;
	s0 =	simm.s32 $0xFC00;
	[dreg:$0x5] =	wrdreg s26;
	s1 =	sadd.s32 $0x400, s1  }
0x12: {  	v1 =	vand.u32 $0x7, v0;
	v3 =	vor.u32 $0x8, v0;
	v2 =	vmul.u32 $0x8, v2;
	s26 =	simm.s32 $0xC400;
	[dreg:$0x4] =	wrdreg s1;
	s1 =	simm.s32 $0xF400  }
.LBB2_17:
0x13: {  	[sflag:s22] =	ssyncadd.s32 $0xFFFF8000  }
.LBB2_18:
0x14: {  	s5 =	sadd.s32 $0x1, s5;
	s2 =	rddreg [dreg:$0x5]  }
0x15: {  	p0 =	sne.s32 s5, s2  }
.Ltmp1:
0x16: {  	_ = 	snop;
	(pc) =	sbr.rel @!p0 .LBB2_19-.Ltmp1, $1  }
0x17: {  	_ =	sdelay $0x3  }
.LBB2_1:
0x18: {  	[dreg:$0x7] =	wrdreg s5  }
0x19: {  	s2 =	rddreg [dreg:$0x1];
	s15 =	simm.s32 $0x15500;
	s17 =	simm.s32 $0x3  }
0x1a: {  	[tilespmem:s15], [sflag:$0x3] =	stream.linear.gather [hbm4b:s2+s4], $0x1000, $0x38;
	[tilespmem:$0x16500] =	vst v63  }
0x1b: {  	_ =	swait.ge [sflag:s17], $0x1000  }
0x1c: {  	s21 =	simm.s32 $0x80;
	[sflag:s17] =	ssyncset.done $0x0  }
0x1d: {  	s15 =	simm.s32 $0x400;
	s20 =	rddreg [dreg:$0x4];
	[sflag:s17] =	ssyncadd.s32 $0xFFFFF000  }
0x1e: {  	[tilespmem:s4], [sflag:$0x2] =	stream.strided.gather [hbm4b:s20+s21], $0x400, s15, s21, $0x38;
	[tilespmem:$0x16500] =	vst v63  }
0x1f: {  	s15 =	sand.u32 $0x3C00, s4  }
0x20: {  	s20 =	sand.u32 $0x70, s4;
	s17 =	sshrl.u32 s15, $0x2  }
0x21: {  	s17 =	sor.u32 s20, s17  }
0x22: {  	v4 =	vld [tilespmem:s17+$0x15500];
	_ =	sdelay $0x3  }
0x23: {  	s2 =	sor.u32 s20, s15  }
0x24: {  	[tilespmem:s2+$0x400] =	vst v4  }
0x25: {  	[tilespmem:s2+$0x480] =	vst v4  }
0x26: {  	[tilespmem:s2+$0x500] =	vst v4  }
0x27: {  	[tilespmem:s2+$0x580] =	vst v4  }
0x28: {  	[tilespmem:s2+$0x600] =	vst v4  }
0x29: {  	[tilespmem:s2+$0x680] =	vst v4  }
0x2a: {  	[tilespmem:s2+$0x700] =	vst v4  }
0x2b: {  	[tilespmem:s2+$0x780] =	vst v4  }
0x2c: {  	[tilespmem:s2+$0x4400] =	vst v4  }
0x2d: {  	[tilespmem:s2+$0x4480] =	vst v4  }
0x2e: {  	[tilespmem:s2+$0x4500] =	vst v4  }
0x2f: {  	[tilespmem:s2+$0x4580] =	vst v4  }
0x30: {  	s21 =	simm.s32 $0x80;
	[tilespmem:s2+$0x4600] =	vst v4  }
0x31: {  	s15 =	simm.s32 $0x100;
	s20 =	sand.u32 $0x3C00, s21;
	s17 =	simm.s32 $0x10;
	[tilespmem:s2+$0x4680] =	vst v4  }
.LBB2_2:
0x32: {  	p0 =	sne.s32 s15, $0x3F80;
	s21 =	sand.u32 $0x70, s17;
	s5 =	sshrl.u32 s20, $0x2;
	[tilespmem:s2+$0x4700] =	vst v4  }
0x33: {  	s5 =	sor.u32 s21, s5;
	[tilespmem:s2+$0x4780] =	vst v4  }
0x34: {  	v4 =	vld [tilespmem:s5+$0x15500];
	_ =	sdelay $0x3  }
0x35: {  	s2 =	sor.u32 s21, s20  }
0x36: {  	[tilespmem:s2+$0x400] =	vst v4  }
0x37: {  	[tilespmem:s2+$0x480] =	vst v4  }
0x38: {  	[tilespmem:s2+$0x500] =	vst v4  }
0x39: {  	[tilespmem:s2+$0x580] =	vst v4  }
0x3a: {  	[tilespmem:s2+$0x600] =	vst v4  }
0x3b: {  	[tilespmem:s2+$0x680] =	vst v4  }
0x3c: {  	[tilespmem:s2+$0x700] =	vst v4  }
0x3d: {  	[tilespmem:s2+$0x780] =	vst v4  }
0x3e: {  	[tilespmem:s2+$0x4400] =	vst v4  }
.Ltmp2:
0x3f: {  	[tilespmem:s2+$0x4480] =	vst v4;
	(pc) =	sbr.rel @p0 .LBB2_2-.Ltmp2, $4  }
0x40: {  	[tilespmem:s2+$0x4500] =	vst v4  }
0x41: {  	[tilespmem:s2+$0x4580] =	vst v4  }
0x42: {  	[tilespmem:s2+$0x4600] =	vst v4  }
0x43: {  	s17 =	sadd.s32 $0x10, s17;
	s20 =	sand.u32 $0x3C00, s15;
	s15 =	sadd.s32 $0x80, s15;
	[tilespmem:s2+$0x4680] =	vst v4  }
0x44: {  	s5 =	sand.u32 $0x70, s17;
	s15 =	sshrl.u32 s20, $0x2;
	[tilespmem:s2+$0x4700] =	vst v4  }
0x45: {  	[tilespmem:s2+$0x4780] =	vst v4;
	s15 =	sor.u32 s5, s15  }
0x46: {  	v4 =	vld [tilespmem:s15+$0x15500];
	_ =	sdelay $0x3  }
0x47: {  	s17 =	sor.u32 s5, s20  }
0x48: {  	[tilespmem:s17+$0x400] =	vst v4  }
0x49: {  	[tilespmem:s17+$0x480] =	vst v4  }
0x4a: {  	[tilespmem:s17+$0x500] =	vst v4  }
0x4b: {  	[tilespmem:s17+$0x580] =	vst v4  }
0x4c: {  	[tilespmem:s17+$0x600] =	vst v4  }
0x4d: {  	[tilespmem:s17+$0x680] =	vst v4  }
0x4e: {  	[tilespmem:s17+$0x700] =	vst v4  }
0x4f: {  	[tilespmem:s17+$0x780] =	vst v4  }
0x50: {  	[tilespmem:s17+$0x4400] =	vst v4  }
0x51: {  	[tilespmem:s17+$0x4480] =	vst v4  }
0x52: {  	[tilespmem:s17+$0x4500] =	vst v4  }
0x53: {  	[tilespmem:s17+$0x4580] =	vst v4  }
0x54: {  	[tilespmem:s17+$0x4600] =	vst v4  }
0x55: {  	[tilespmem:s17+$0x4680] =	vst v4  }
0x56: {  	[tilespmem:s17+$0x4700] =	vst v4  }
0x57: {  	s20 =	simm.s32 $0x2;
	[tilespmem:s17+$0x4780] =	vst v4  }
0x58: {  	_ =	swait.ge [sflag:s20], $0x400  }
0x59: {  	[sflag:s20] =	ssyncset.done $0x0  }
0x5a: {  	s21 =	simm.s32 $0x0;
	[sflag:s20] =	ssyncadd.s32 $0xFFFFFC00  }
0x5b: {  	v4 =	vld [tilespmem:s21+$0x0];
	_ =	sdelay $0x4  }
0x5c: {  	vm1 =	veq.s32 v4, $0x0  }
0x5d: {  	v5 =	vmpcnt.ones.xlane vm1;
	_ =	sdelay $0x1  }
0x5e: {  	(v2sf) =	vpush v5, $0x0;
	_ =	sdelay $0x2  }
0x5f: {  	s15 =	rddreg [dreg:$0x6]  }
0x60: {  	s2 =	simm.s32 $0x0;
	v6 =	vor.u32 s15, v0  }
0x61: {  	vm2 =	vne.s32 v4, $0x0;
	[tilespmem:s2+$0x10400] =	vst.msk vm1, v6  }
0x62: {  	s17 =	simm.s32 $0x0;
	s20 =	simm.s32 $0x40;
	s21 =	simm.s32 $0x80;
	[tilespmem:s2+$0x10880] =	vst.msk vm2, v6  }
.LBB2_4:
0x63: {  	p0 =	sne.s32 s21, $0xFC0;
	s5 =	sshra.s32 s20, $0x2;
	s20 =	smov.u32 s21  }
0x64: {  	v4 =	vld [tilespmem:s5+$0x0];
	_ =	sdelay $0x4  }
0x65: {  	vm1 =	vne.s32 v4, $0x0;
	vm2 =	veq.s32 v4, $0x0  }
0x66: {  	v4 =	vmpcnt.ones.xlane vm2  }
0x67: {  	s15 =	sadd.s32 $0x10, s15;
	s5 =	spop (v2sf)  }
0x68: {  	v5 =	vor.u32 s15, v0;
	(v2sf) =	vpush v4, $0x0;
	s2 =	sadd.s32 s2, s5;
	s5 =	ssub.s32 s17, s5  }
0x69: {  	[tilespmem:s2+$0x10400] =	vst.msk vm2, v5;
	s17 =	sadd.s32 $0x10, s5  }
.Ltmp3:
0x6a: {  	[tilespmem:s17+$0x10880] =	vst.msk vm1, v5;
	(pc) =	sbr.rel @p0 .LBB2_4-.Ltmp3, $2  }
0x6b: {  	_ =	sdelay $0x2  }
0x6c: {  	s21 =	sadd.s32 $0x40, s21  }
0x6d: {  	s5 =	sshra.s32 s20, $0x2  }
0x6e: {  	v4 =	vld [tilespmem:s5+$0x0];
	_ =	sdelay $0x4  }
0x6f: {  	vm1 =	veq.s32 v4, $0x0  }
0x70: {  	v5 =	vmpcnt.ones.xlane vm1;
	_ =	sdelay $0x1  }
0x71: {  	(v2sf) =	vpush v5, $0x0;
	_ =	sdelay $0x7  }
0x72: {  	s15 =	sadd.s32 $0x10, s15;
	s21 =	spop (v2sf)  }
0x73: {  	v5 =	vor.u32 s15, v0;
	s2 =	sadd.s32 s2, s21;
	s5 =	ssub.s32 s17, s21  }
0x74: {  	vm2 =	vne.s32 v4, $0x0;
	[tilespmem:s2+$0x10400] =	vst.msk vm1, v5;
	s5 =	sadd.s32 $0x10, s5  }
0x75: {  	s17 =	simm.s32 $0x10400;
	[tilespmem:s5+$0x10880] =	vst.msk vm2, v5  }
0x76: {  	v4 =	vld.msk [tilespmem:s17+$0x0], $0xffff;
	_ =	sdelay $0x2  }
0x77: {  	s20 =	spop (v2sf)  }
0x78: {  	s15 =	sadd.s32 s2, s20  }
0x79: {  	s21 =	simm.s32 $0x10880;
	[tilespmem:s15+$0x10400] =	vst v4  }
0x7a: {  	v4 =	vld.msk [tilespmem:s21+$0x0], $0xffff;
	_ =	sdelay $0x2  }
0x7b: {  	s20 =	ssub.s32 s5, s20  }
0x7c: {  	s2 =	sadd.s32 $0x10, s20  }
0x7d: {  	s21 =	simm.s32 $0x0;
	[tilespmem:s2+$0x10880] =	vst v4  }
0x7e: {  	v4 =	vld [tilespmem:s21+$0x10400];
	_ =	sdelay $0x3  }
0x7f: {  	s17 =	simm.s32 $0x10D00  }
0x80: {  	[tilespmem:s17+$0x0] =	vst v4  }
0x81: {  	v4 =	vld [tilespmem:s21+$0x10880];
	_ =	sdelay $0x3  }
0x82: {  	[dreg:$0xa] =	wrdreg s2;
	s2 =	simm.s32 $0x13100  }
0x83: {  	s20 =	simm.s32 $0x10;
	s21 =	simm.s32 $0x80;
	[tilespmem:s2+$0x0] =	vst v4  }
.LBB2_6:
0x84: {  	p0 =	sne.s32 s21, $0x1000;
	v4 =	vld [tilespmem:s20+$0x10400];
	_ =	sdelay $0x3  }
0x85: {  	s17 =	sadd.s32 $0x80, s17  }
0x86: {  	[tilespmem:s17+$0x0] =	vst v4  }
0x87: {  	v4 =	vld [tilespmem:s20+$0x10880]  }
.Ltmp4:
0x88: {  	(pc) =	sbr.rel @p0 .LBB2_6-.Ltmp4, $3  }
0x89: {  	_ =	sdelay $0x1  }
0x8a: {  	s2 =	sadd.s32 $0x80, s2  }
0x8b: {  	s20 =	sshra.s32 s21, $0x2;
	s21 =	sadd.s32 $0x40, s21;
	[tilespmem:s2+$0x0] =	vst v4  }
0x8c: {  	s5 =	sadd.s32 $0xF, s15  }
0x8d: {  	v4 =	vld [tilespmem:s20+$0x10400];
	s21 =	sand.u32 $0xF, s5  }
0x8e: {  	p1 =	slt.s32 s5, $0x1;
	p0 =	sne.s32 s21, $0x0;
	s21 =	sshra.s32 s5, $0x1F  }
0x8f: {  	s15 =	sshrl.u32 s21, $0x1C;
	p0 =	por !p1, !p0  }
0x90: {  	s5 =	sadd.s32 s15, s5;
	p0 =	por !p0, !p0;
	s15 =	simm.s32 $0x1  }
0x91: {  	s17 =	sadd.s32 $0x80, s17;
	s5 =	sshra.s32 s5, $0x4;
	s15 =	simm.s32 @!p0 $0x0  }
0x92: {  	[tilespmem:s17+$0x0] =	vst v4;
	s5 =	ssub.s32 s5, s15  }
0x93: {  	v4 =	vld [tilespmem:s20+$0x10880];
	p0 =	sgt.s32 s5, $0x0  }
.Ltmp5:
0x94: {  	_ = 	snop;
	(pc) =	sbr.rel @!p0 .LBB2_8-.Ltmp5, $3  }
0x95: {  	_ =	sdelay $0x1  }
0x96: {  	s2 =	sadd.s32 $0x80, s2;
	s21 =	simm.s32 $0x1C00;
	s17 =	simm.s32 $0xC00  }
0x97: {  	s15 =	simm.s32 $0x10D00;
	s20 =	simm.s32 $0x1400;
	[dreg:$0x8] =	wrdreg s5;
	[tilespmem:s2+$0x0] =	vst v4  }
0x98: {  	v4 =	vld [tilespmem:s15+$0x0];
	_ =	sdelay $0x4  }
0x99: {  	v5 =	vshll.u32 v4, $0x4  }
0x9a: {  	v4 =	vand.u32 $0x7, v4;
	v5 =	vand.u32 $0xFFFFFF80, v5  }
0x9b: {  	v4 =	vor.u32 v4, v5  }
0x9c: {  	v5 =	vperm.xlane v4, v1;
	_ =	sdelay $0x1  }
0x9d: {  	v5 =	vadd.s32 v2, v5;
	_ =	sdelay $0x3  }
0x9e: {  	s5 =	simm.s32 $0x400  }
0x9f: {  	[hbm4b:s3+s4] =	stream.indirect_vreg.scatter [tilespmem:s5], [sflag:$0x1], $0x80, v5, vm0, $0xb8;
	[tilespmem:$0x16500] =	vst v63  }
0xa0: {  	_ = 	snop  }
0xa1: {  	[hbm4b:s6+s4] =	stream.indirect_vreg.scatter [tilespmem:s17], [sflag:$0x1], $0x80, v5, vm0, $0xb8;
	[tilespmem:$0x16500] =	vst v63  }
0xa2: {  	_ = 	snop  }
0xa3: {  	[hbm4b:s7+s4] =	stream.indirect_vreg.scatter [tilespmem:s20], [sflag:$0x1], $0x80, v5, vm0, $0xb8;
	[tilespmem:$0x16500] =	vst v63  }
0xa4: {  	_ = 	snop  }
0xa5: {  	[hbm4b:s8+s4] =	stream.indirect_vreg.scatter [tilespmem:s21], [sflag:$0x1], $0x80, v5, vm0, $0xb8;
	[tilespmem:$0x16500] =	vst v63  }
0xa6: {  	s13 =	simm.s32 $0x2400  }
0xa7: {  	[hbm4b:s9+s4] =	stream.indirect_vreg.scatter [tilespmem:s13], [sflag:$0x1], $0x80, v5, vm0, $0xb8;
	[tilespmem:$0x16500] =	vst v63  }
0xa8: {  	s16 =	simm.s32 $0x2C00;
	v4 =	vperm.xlane v4, v3  }
0xa9: {  	[hbm4b:s10+s4] =	stream.indirect_vreg.scatter [tilespmem:s16], [sflag:$0x1], $0x80, v5, vm0, $0xb8;
	[tilespmem:$0x16500] =	vst v63  }
0xaa: {  	s19 =	simm.s32 $0x3400;
	v4 =	vadd.s32 v2, v4  }
0xab: {  	[hbm4b:s11+s4] =	stream.indirect_vreg.scatter [tilespmem:s19], [sflag:$0x1], $0x80, v5, vm0, $0xb8;
	[tilespmem:$0x16500] =	vst v63  }
0xac: {  	s14 =	simm.s32 $0x3C00  }
0xad: {  	[hbm4b:s12+s4] =	stream.indirect_vreg.scatter [tilespmem:s14], [sflag:$0x1], $0x80, v5, vm0, $0xb8;
	[tilespmem:$0x16500] =	vst v63  }
0xae: {  	s18 =	simm.s32 $0x4400  }
0xaf: {  	[hbm4b:s3+s4] =	stream.indirect_vreg.scatter [tilespmem:s18], [sflag:$0x1], $0x80, v4, vm0, $0xb8;
	[tilespmem:$0x16500] =	vst v63  }
0xb0: {  	s23 =	simm.s32 $0x4C00  }
0xb1: {  	[hbm4b:s6+s4] =	stream.indirect_vreg.scatter [tilespmem:s23], [sflag:$0x1], $0x80, v4, vm0, $0xb8;
	[tilespmem:$0x16500] =	vst v63  }
0xb2: {  	s24 =	simm.s32 $0x5400  }
0xb3: {  	[hbm4b:s7+s4] =	stream.indirect_vreg.scatter [tilespmem:s24], [sflag:$0x1], $0x80, v4, vm0, $0xb8;
	[tilespmem:$0x16500] =	vst v63  }
0xb4: {  	s25 =	simm.s32 $0x5C00;
	s2 =	rddreg [dreg:$0x8]  }
0xb5: {  	[hbm4b:s8+s4] =	stream.indirect_vreg.scatter [tilespmem:s25], [sflag:$0x1], $0x80, v4, vm0, $0xb8;
	[tilespmem:$0x16500] =	vst v63  }
0xb6: {  	s26 =	simm.s32 $0x6400;
	p0 =	seq.s32 s2, $0x1  }
0xb7: {  	[hbm4b:s9+s4] =	stream.indirect_vreg.scatter [tilespmem:s26], [sflag:$0x1], $0x80, v4, vm0, $0xb8;
	[tilespmem:$0x16500] =	vst v63  }
.Ltmp6:
0xb8: {  	_ = 	snop;
	(pc) =	sbr.rel @p0 .LBB2_22-.Ltmp6, $4  }
0xb9: {  	s28 =	simm.s32 $0x6C00;
	s29 =	simm.s32 $0x7400  }
0xba: {  	[hbm4b:s10+s4] =	stream.indirect_vreg.scatter [tilespmem:s28], [sflag:$0x1], $0x80, v4, vm0, $0xb8;
	[tilespmem:$0x16500] =	vst v63  }
0xbb: {  	s30 =	simm.s32 $0x7C00;
	s15 =	sadd.s32 $0x80, s15;
	s2 =	sadd.s32 $0xFFFFFFFF, s2  }
0xbc: {  	[hbm4b:s11+s4] =	stream.indirect_vreg.scatter [tilespmem:s29], [sflag:$0x1], $0x80, v4, vm0, $0xb8;
	[tilespmem:$0x16500] =	vst v63  }
.LBB2_21:
0xbd: {  	[hbm4b:s12+s4] =	stream.indirect_vreg.scatter [tilespmem:s30], [sflag:$0x1], $0x80, v4, vm0, $0xb8;
	[tilespmem:$0x16500] =	vst v63  }
0xbe: {  	p0 =	seq.s32 s2, $0x1;
	s2 =	sadd.s32 $0xFFFFFFFF, s2;
	v4 =	vld [tilespmem:s15+$0x0];
	_ =	sdelay $0x4  }
0xbf: {  	v5 =	vshll.u32 v4, $0x4  }
0xc0: {  	v4 =	vand.u32 $0x7, v4;
	v5 =	vand.u32 $0xFFFFFF80, v5  }
0xc1: {  	v4 =	vor.u32 v4, v5  }
0xc2: {  	v5 =	vperm.xlane v4, v1;
	v4 =	vperm.xlane v4, v3;
	_ =	sdelay $0x1  }
0xc3: {  	v5 =	vadd.s32 v2, v5;
	_ =	sdelay $0x4  }
0xc4: {  	[hbm4b:s3+s4] =	stream.indirect_vreg.scatter [tilespmem:s5], [sflag:$0x1], $0x80, v5, vm0, $0xb8;
	[tilespmem:$0x16500] =	vst v63  }
0xc5: {  	_ = 	snop  }
0xc6: {  	[hbm4b:s6+s4] =	stream.indirect_vreg.scatter [tilespmem:s17], [sflag:$0x1], $0x80, v5, vm0, $0xb8;
	[tilespmem:$0x16500] =	vst v63  }
0xc7: {  	_ = 	snop  }
0xc8: {  	[hbm4b:s7+s4] =	stream.indirect_vreg.scatter [tilespmem:s20], [sflag:$0x1], $0x80, v5, vm0, $0xb8;
	[tilespmem:$0x16500] =	vst v63  }
0xc9: {  	_ = 	snop  }
0xca: {  	[hbm4b:s8+s4] =	stream.indirect_vreg.scatter [tilespmem:s21], [sflag:$0x1], $0x80, v5, vm0, $0xb8;
	[tilespmem:$0x16500] =	vst v63  }
0xcb: {  	_ = 	snop  }
0xcc: {  	[hbm4b:s9+s4] =	stream.indirect_vreg.scatter [tilespmem:s13], [sflag:$0x1], $0x80, v5, vm0, $0xb8;
	[tilespmem:$0x16500] =	vst v63  }
0xcd: {  	_ = 	snop  }
0xce: {  	[hbm4b:s10+s4] =	stream.indirect_vreg.scatter [tilespmem:s16], [sflag:$0x1], $0x80, v5, vm0, $0xb8;
	[tilespmem:$0x16500] =	vst v63  }
0xcf: {  	v4 =	vadd.s32 v2, v4  }
0xd0: {  	[hbm4b:s11+s4] =	stream.indirect_vreg.scatter [tilespmem:s19], [sflag:$0x1], $0x80, v5, vm0, $0xb8;
	[tilespmem:$0x16500] =	vst v63  }
0xd1: {  	_ = 	snop  }
0xd2: {  	[hbm4b:s12+s4] =	stream.indirect_vreg.scatter [tilespmem:s14], [sflag:$0x1], $0x80, v5, vm0, $0xb8;
	[tilespmem:$0x16500] =	vst v63  }
0xd3: {  	_ = 	snop  }
0xd4: {  	[hbm4b:s3+s4] =	stream.indirect_vreg.scatter [tilespmem:s18], [sflag:$0x1], $0x80, v4, vm0, $0xb8;
	[tilespmem:$0x16500] =	vst v63  }
0xd5: {  	_ = 	snop  }
0xd6: {  	[hbm4b:s6+s4] =	stream.indirect_vreg.scatter [tilespmem:s23], [sflag:$0x1], $0x80, v4, vm0, $0xb8;
	[tilespmem:$0x16500] =	vst v63  }
0xd7: {  	_ = 	snop  }
0xd8: {  	[hbm4b:s7+s4] =	stream.indirect_vreg.scatter [tilespmem:s24], [sflag:$0x1], $0x80, v4, vm0, $0xb8;
	[tilespmem:$0x16500] =	vst v63  }
0xd9: {  	_ = 	snop  }
0xda: {  	[hbm4b:s8+s4] =	stream.indirect_vreg.scatter [tilespmem:s25], [sflag:$0x1], $0x80, v4, vm0, $0xb8;
	[tilespmem:$0x16500] =	vst v63  }
0xdb: {  	_ = 	snop  }
0xdc: {  	[hbm4b:s9+s4] =	stream.indirect_vreg.scatter [tilespmem:s26], [sflag:$0x1], $0x80, v4, vm0, $0xb8;
	[tilespmem:$0x16500] =	vst v63  }
.Ltmp7:
0xdd: {  	(pc) =	sbr.rel @!p0 .LBB2_21-.Ltmp7, $4  }
0xde: {  	[hbm4b:s10+s4] =	stream.indirect_vreg.scatter [tilespmem:s28], [sflag:$0x1], $0x80, v4, vm0, $0xb8;
	[tilespmem:$0x16500] =	vst v63  }
0xdf: {  	_ = 	snop  }
0xe0: {  	[hbm4b:s11+s4] =	stream.indirect_vreg.scatter [tilespmem:s29], [sflag:$0x1], $0x80, v4, vm0, $0xb8;
	[tilespmem:$0x16500] =	vst v63  }
0xe1: {  	s15 =	sadd.s32 $0x80, s15  }
.LBB2_22:
0xe2: {  	_ =	sdelay $0x3  }
0xe3: {  	[hbm4b:s12+s4] =	stream.indirect_vreg.scatter [tilespmem:s30], [sflag:$0x1], $0x80, v4, vm0, $0xb8;
	[tilespmem:$0x16500] =	vst v63  }
0xe4: {  	s13 =	simm.s32 $0x8400;
	s14 =	simm.s32 $0x8C00;
	s16 =	simm.s32 $0x9400  }
0xe5: {  	s18 =	simm.s32 $0x9C00;
	s19 =	simm.s32 $0xA400;
	s23 =	simm.s32 $0xAC00  }
0xe6: {  	s24 =	simm.s32 $0xB400;
	s25 =	simm.s32 $0xBC00;
	s26 =	simm.s32 $0xC400  }
0xe7: {  	s28 =	simm.s32 $0xCC00;
	s29 =	simm.s32 $0xD400;
	s30 =	simm.s32 $0xDC00  }
.LBB2_8:
0xe8: {  	s2 =	rddreg [dreg:$0xa]  }
0xe9: {  	s2 =	sadd.s32 $0xF, s2  }
0xea: {  	s5 =	sand.u32 $0xF, s2  }
0xeb: {  	s15 =	sshra.s32 s2, $0x1F;
	p0 =	slt.s32 s2, $0x1;
	p1 =	sne.s32 s5, $0x0  }
0xec: {  	s21 =	sshrl.u32 s15, $0x1C;
	p0 =	por !p0, !p1  }
0xed: {  	s5 =	simm.s32 $0x1;
	s2 =	sadd.s32 s21, s2;
	p0 =	por !p0, !p0  }
0xee: {  	s15 =	simm.s32 $0x0;
	s2 =	sshra.s32 s2, $0x4;
	s5 =	simm.s32 @!p0 $0x0  }
0xef: {  	s17 =	sand.u32 $0x3C00, s15;
	s2 =	ssub.s32 s2, s5  }
0xf0: {  	s20 =	sshrl.u32 s17, $0x2;
	[dreg:$0x9] =	wrdreg s2;
	s2 =	sand.u32 $0x70, s15  }
0xf1: {  	s15 =	sor.u32 s2, s20  }
0xf2: {  	v4 =	vld [tilespmem:s15+$0x15580];
	_ =	sdelay $0x3  }
0xf3: {  	s2 =	sor.u32 s2, s17  }
0xf4: {  	[tilespmem:s2+$0x8400] =	vst v4  }
0xf5: {  	[tilespmem:s2+$0x8480] =	vst v4  }
0xf6: {  	[tilespmem:s2+$0x8500] =	vst v4  }
0xf7: {  	[tilespmem:s2+$0x8580] =	vst v4  }
0xf8: {  	[tilespmem:s2+$0x8600] =	vst v4  }
0xf9: {  	[tilespmem:s2+$0x8680] =	vst v4  }
0xfa: {  	[tilespmem:s2+$0x8700] =	vst v4  }
0xfb: {  	[tilespmem:s2+$0x8780] =	vst v4  }
0xfc: {  	[tilespmem:s2+$0xC400] =	vst v4  }
0xfd: {  	[tilespmem:s2+$0xC480] =	vst v4  }
0xfe: {  	[tilespmem:s2+$0xC500] =	vst v4  }
0xff: {  	[tilespmem:s2+$0xC580] =	vst v4  }
0x100: {  	s21 =	simm.s32 $0x80;
	[tilespmem:s2+$0xC600] =	vst v4  }
0x101: {  	s20 =	sand.u32 $0x3C00, s21;
	s17 =	simm.s32 $0x10;
	s15 =	simm.s32 $0x100;
	[tilespmem:s2+$0xC680] =	vst v4  }
.LBB2_9:
0x102: {  	p0 =	seq.s32 s15, $0x3F80;
	s5 =	sand.u32 $0x70, s17;
	s21 =	sshrl.u32 s20, $0x2;
	[tilespmem:s2+$0xC700] =	vst v4  }
0x103: {  	s21 =	sor.u32 s5, s21;
	[tilespmem:s2+$0xC780] =	vst v4  }
0x104: {  	v4 =	vld [tilespmem:s21+$0x15580];
	_ =	sdelay $0x3  }
0x105: {  	s2 =	sor.u32 s5, s20  }
0x106: {  	[tilespmem:s2+$0x8400] =	vst v4  }
0x107: {  	[tilespmem:s2+$0x8480] =	vst v4  }
0x108: {  	[tilespmem:s2+$0x8500] =	vst v4  }
0x109: {  	[tilespmem:s2+$0x8580] =	vst v4  }
0x10a: {  	[tilespmem:s2+$0x8600] =	vst v4  }
0x10b: {  	[tilespmem:s2+$0x8680] =	vst v4  }
0x10c: {  	[tilespmem:s2+$0x8700] =	vst v4  }
0x10d: {  	[tilespmem:s2+$0x8780] =	vst v4  }
0x10e: {  	[tilespmem:s2+$0xC400] =	vst v4  }
.Ltmp8:
0x10f: {  	[tilespmem:s2+$0xC480] =	vst v4;
	(pc) =	sbr.rel @!p0 .LBB2_9-.Ltmp8, $4  }
0x110: {  	[tilespmem:s2+$0xC500] =	vst v4  }
0x111: {  	[tilespmem:s2+$0xC580] =	vst v4  }
0x112: {  	[tilespmem:s2+$0xC600] =	vst v4  }
0x113: {  	s17 =	sadd.s32 $0x10, s17;
	s20 =	sand.u32 $0x3C00, s15;
	s15 =	sadd.s32 $0x80, s15;
	[tilespmem:s2+$0xC680] =	vst v4  }
0x114: {  	s5 =	sand.u32 $0x70, s17;
	s15 =	sshrl.u32 s20, $0x2;
	[tilespmem:s2+$0xC700] =	vst v4  }
0x115: {  	[tilespmem:s2+$0xC780] =	vst v4;
	s15 =	sor.u32 s5, s15  }
0x116: {  	v4 =	vld [tilespmem:s15+$0x15580];
	_ =	sdelay $0x3  }
0x117: {  	s21 =	sor.u32 s5, s20  }
0x118: {  	[tilespmem:s21+$0x8400] =	vst v4  }
0x119: {  	[tilespmem:s21+$0x8480] =	vst v4  }
0x11a: {  	[tilespmem:s21+$0x8500] =	vst v4  }
0x11b: {  	[tilespmem:s21+$0x8580] =	vst v4  }
0x11c: {  	[tilespmem:s21+$0x8600] =	vst v4  }
0x11d: {  	[tilespmem:s21+$0x8680] =	vst v4  }
0x11e: {  	[tilespmem:s21+$0x8700] =	vst v4  }
0x11f: {  	[tilespmem:s21+$0x8780] =	vst v4  }
0x120: {  	[tilespmem:s21+$0xC400] =	vst v4  }
0x121: {  	s17 =	rddreg [dreg:$0x9];
	[tilespmem:s21+$0xC480] =	vst v4  }
0x122: {  	p0 =	sgt.s32 s17, $0x0;
	[tilespmem:s21+$0xC500] =	vst v4  }
.Ltmp9:
0x123: {  	[tilespmem:s21+$0xC580] =	vst v4;
	(pc) =	sbr.rel @!p0 .LBB2_14-.Ltmp9, $4  }
0x124: {  	[tilespmem:s21+$0xC600] =	vst v4  }
0x125: {  	[tilespmem:s21+$0xC680] =	vst v4  }
0x126: {  	[tilespmem:s21+$0xC700] =	vst v4  }
0x127: {  	s5 =	simm.s32 $0xE400;
	s15 =	simm.s32 $0x13100;
	[tilespmem:s21+$0xC780] =	vst v4  }
0x128: {  	v4 =	vld [tilespmem:s15+$0x0];
	_ =	sdelay $0x4  }
0x129: {  	v5 =	vshll.u32 v4, $0x4  }
0x12a: {  	v4 =	vand.u32 $0x7, v4;
	v5 =	vand.u32 $0xFFFFFF80, v5  }
0x12b: {  	v4 =	vor.u32 v4, v5  }
0x12c: {  	v5 =	vperm.xlane v4, v1;
	_ =	sdelay $0x1  }
0x12d: {  	v5 =	vadd.s32 v2, v5;
	_ =	sdelay $0x4  }
0x12e: {  	[hbm4b:s3+s4] =	stream.indirect_vreg.scatter [tilespmem:s13], [sflag:$0x1], $0x80, v5, vm0, $0xb8;
	[tilespmem:$0x16500] =	vst v63  }
0x12f: {  	_ = 	snop  }
0x130: {  	[hbm4b:s6+s4] =	stream.indirect_vreg.scatter [tilespmem:s14], [sflag:$0x1], $0x80, v5, vm0, $0xb8;
	[tilespmem:$0x16500] =	vst v63  }
0x131: {  	_ = 	snop  }
0x132: {  	[hbm4b:s7+s4] =	stream.indirect_vreg.scatter [tilespmem:s16], [sflag:$0x1], $0x80, v5, vm0, $0xb8;
	[tilespmem:$0x16500] =	vst v63  }
0x133: {  	_ = 	snop  }
0x134: {  	[hbm4b:s8+s4] =	stream.indirect_vreg.scatter [tilespmem:s18], [sflag:$0x1], $0x80, v5, vm0, $0xb8;
	[tilespmem:$0x16500] =	vst v63  }
0x135: {  	_ = 	snop  }
0x136: {  	[hbm4b:s9+s4] =	stream.indirect_vreg.scatter [tilespmem:s19], [sflag:$0x1], $0x80, v5, vm0, $0xb8;
	[tilespmem:$0x16500] =	vst v63  }
0x137: {  	v4 =	vperm.xlane v4, v3  }
0x138: {  	[hbm4b:s10+s4] =	stream.indirect_vreg.scatter [tilespmem:s23], [sflag:$0x1], $0x80, v5, vm0, $0xb8;
	[tilespmem:$0x16500] =	vst v63  }
0x139: {  	v4 =	vadd.s32 v2, v4  }
0x13a: {  	[hbm4b:s11+s4] =	stream.indirect_vreg.scatter [tilespmem:s24], [sflag:$0x1], $0x80, v5, vm0, $0xb8;
	[tilespmem:$0x16500] =	vst v63  }
0x13b: {  	_ = 	snop  }
0x13c: {  	[hbm4b:s12+s4] =	stream.indirect_vreg.scatter [tilespmem:s25], [sflag:$0x1], $0x80, v5, vm0, $0xb8;
	[tilespmem:$0x16500] =	vst v63  }
0x13d: {  	_ = 	snop  }
0x13e: {  	[hbm4b:s3+s4] =	stream.indirect_vreg.scatter [tilespmem:s26], [sflag:$0x1], $0x80, v4, vm0, $0xb8;
	[tilespmem:$0x16500] =	vst v63  }
0x13f: {  	_ = 	snop  }
0x140: {  	[hbm4b:s6+s4] =	stream.indirect_vreg.scatter [tilespmem:s28], [sflag:$0x1], $0x80, v4, vm0, $0xb8;
	[tilespmem:$0x16500] =	vst v63  }
0x141: {  	_ = 	snop  }
0x142: {  	[hbm4b:s7+s4] =	stream.indirect_vreg.scatter [tilespmem:s29], [sflag:$0x1], $0x80, v4, vm0, $0xb8;
	[tilespmem:$0x16500] =	vst v63  }
0x143: {  	_ = 	snop  }
0x144: {  	[hbm4b:s8+s4] =	stream.indirect_vreg.scatter [tilespmem:s30], [sflag:$0x1], $0x80, v4, vm0, $0xb8;
	[tilespmem:$0x16500] =	vst v63  }
0x145: {  	p0 =	sne.s32 s17, $0x1  }
0x146: {  	[hbm4b:s9+s4] =	stream.indirect_vreg.scatter [tilespmem:s5], [sflag:$0x1], $0x80, v4, vm0, $0xb8;
	[tilespmem:$0x16500] =	vst v63  }
.Ltmp10:
0x147: {  	_ = 	snop;
	(pc) =	sbr.rel @!p0 .LBB2_13-.Ltmp10, $4  }
0x148: {  	_ = 	snop  }
0x149: {  	[hbm4b:s10+s4] =	stream.indirect_vreg.scatter [tilespmem:s31], [sflag:$0x1], $0x80, v4, vm0, $0xb8;
	[tilespmem:$0x16500] =	vst v63  }
0x14a: {  	s2 =	sadd.s32 $0xFFFFFFFF, s17;
	s15 =	sadd.s32 $0x80, s15  }
0x14b: {  	[hbm4b:s11+s4] =	stream.indirect_vreg.scatter [tilespmem:s1], [sflag:$0x1], $0x80, v4, vm0, $0xb8;
	[tilespmem:$0x16500] =	vst v63  }
.LBB2_12:
0x14c: {  	[hbm4b:s12+s4] =	stream.indirect_vreg.scatter [tilespmem:s0], [sflag:$0x1], $0x80, v4, vm0, $0xb8;
	[tilespmem:$0x16500] =	vst v63  }
0x14d: {  	p0 =	sne.s32 s2, $0x1;
	s2 =	sadd.s32 $0xFFFFFFFF, s2;
	v4 =	vld [tilespmem:s15+$0x0];
	_ =	sdelay $0x4  }
0x14e: {  	v5 =	vshll.u32 v4, $0x4  }
0x14f: {  	v4 =	vand.u32 $0x7, v4;
	v5 =	vand.u32 $0xFFFFFF80, v5  }
0x150: {  	v4 =	vor.u32 v4, v5  }
0x151: {  	v5 =	vperm.xlane v4, v1;
	v4 =	vperm.xlane v4, v3;
	_ =	sdelay $0x1  }
0x152: {  	v5 =	vadd.s32 v2, v5;
	_ =	sdelay $0x4  }
0x153: {  	[hbm4b:s3+s4] =	stream.indirect_vreg.scatter [tilespmem:s13], [sflag:$0x1], $0x80, v5, vm0, $0xb8;
	[tilespmem:$0x16500] =	vst v63  }
0x154: {  	_ = 	snop  }
0x155: {  	[hbm4b:s6+s4] =	stream.indirect_vreg.scatter [tilespmem:s14], [sflag:$0x1], $0x80, v5, vm0, $0xb8;
	[tilespmem:$0x16500] =	vst v63  }
0x156: {  	_ = 	snop  }
0x157: {  	[hbm4b:s7+s4] =	stream.indirect_vreg.scatter [tilespmem:s16], [sflag:$0x1], $0x80, v5, vm0, $0xb8;
	[tilespmem:$0x16500] =	vst v63  }
0x158: {  	_ = 	snop  }
0x159: {  	[hbm4b:s8+s4] =	stream.indirect_vreg.scatter [tilespmem:s18], [sflag:$0x1], $0x80, v5, vm0, $0xb8;
	[tilespmem:$0x16500] =	vst v63  }
0x15a: {  	_ = 	snop  }
0x15b: {  	[hbm4b:s9+s4] =	stream.indirect_vreg.scatter [tilespmem:s19], [sflag:$0x1], $0x80, v5, vm0, $0xb8;
	[tilespmem:$0x16500] =	vst v63  }
0x15c: {  	_ = 	snop  }
0x15d: {  	[hbm4b:s10+s4] =	stream.indirect_vreg.scatter [tilespmem:s23], [sflag:$0x1], $0x80, v5, vm0, $0xb8;
	[tilespmem:$0x16500] =	vst v63  }
0x15e: {  	v4 =	vadd.s32 v2, v4  }
0x15f: {  	[hbm4b:s11+s4] =	stream.indirect_vreg.scatter [tilespmem:s24], [sflag:$0x1], $0x80, v5, vm0, $0xb8;
	[tilespmem:$0x16500] =	vst v63  }
0x160: {  	_ = 	snop  }
0x161: {  	[hbm4b:s12+s4] =	stream.indirect_vreg.scatter [tilespmem:s25], [sflag:$0x1], $0x80, v5, vm0, $0xb8;
	[tilespmem:$0x16500] =	vst v63  }
0x162: {  	_ = 	snop  }
0x163: {  	[hbm4b:s3+s4] =	stream.indirect_vreg.scatter [tilespmem:s26], [sflag:$0x1], $0x80, v4, vm0, $0xb8;
	[tilespmem:$0x16500] =	vst v63  }
0x164: {  	_ = 	snop  }
0x165: {  	[hbm4b:s6+s4] =	stream.indirect_vreg.scatter [tilespmem:s28], [sflag:$0x1], $0x80, v4, vm0, $0xb8;
	[tilespmem:$0x16500] =	vst v63  }
0x166: {  	_ = 	snop  }
0x167: {  	[hbm4b:s7+s4] =	stream.indirect_vreg.scatter [tilespmem:s29], [sflag:$0x1], $0x80, v4, vm0, $0xb8;
	[tilespmem:$0x16500] =	vst v63  }
0x168: {  	_ = 	snop  }
0x169: {  	[hbm4b:s8+s4] =	stream.indirect_vreg.scatter [tilespmem:s30], [sflag:$0x1], $0x80, v4, vm0, $0xb8;
	[tilespmem:$0x16500] =	vst v63  }
0x16a: {  	_ = 	snop  }
0x16b: {  	[hbm4b:s9+s4] =	stream.indirect_vreg.scatter [tilespmem:s5], [sflag:$0x1], $0x80, v4, vm0, $0xb8;
	[tilespmem:$0x16500] =	vst v63  }
.Ltmp11:
0x16c: {  	(pc) =	sbr.rel @p0 .LBB2_12-.Ltmp11, $4  }
0x16d: {  	[hbm4b:s10+s4] =	stream.indirect_vreg.scatter [tilespmem:s31], [sflag:$0x1], $0x80, v4, vm0, $0xb8;
	[tilespmem:$0x16500] =	vst v63  }
0x16e: {  	_ = 	snop  }
0x16f: {  	[hbm4b:s11+s4] =	stream.indirect_vreg.scatter [tilespmem:s1], [sflag:$0x1], $0x80, v4, vm0, $0xb8;
	[tilespmem:$0x16500] =	vst v63  }
0x170: {  	s15 =	sadd.s32 $0x80, s15  }
.LBB2_13:
0x171: {  	_ =	sdelay $0x3  }
0x172: {  	[hbm4b:s12+s4] =	stream.indirect_vreg.scatter [tilespmem:s0], [sflag:$0x1], $0x80, v4, vm0, $0xb8;
	[tilespmem:$0x16500] =	vst v63  }
.LBB2_14:
0x173: {  	s2 =	rddreg [dreg:$0x8]  }
0x174: {  	s2 =	sadd.s32 s2, s17  }
0x175: {  	p0 =	slt.s32 s2, $0x1  }
.Ltmp12:
0x176: {  	_ = 	snop;
	(pc) =	sbr.rel @p0 .LBB2_18-.Ltmp12, $2  }
0x177: {  	_ =	sdelay $0x2  }
0x178: {  	s5 =	rddreg [dreg:$0x7]  }
0x179: {  	p0 =	sne.s32 s2, $0x1  }
.Ltmp13:
0x17a: {  	_ = 	snop;
	(pc) =	sbr.rel @!p0 .LBB2_17-.Ltmp13, $3  }
0x17b: {  	_ =	sdelay $0x1  }
0x17c: {  	_ =	swait.ge [sflag:s22], $0x8000  }
0x17d: {  	s2 =	sadd.s32 $0xFFFFFFFF, s2;
	[sflag:s22] =	ssyncset.done $0x0  }
.LBB2_16:
0x17e: {  	p0 =	sne.s32 s2, $0x1;
	s2 =	sadd.s32 $0xFFFFFFFF, s2;
	[sflag:s22] =	ssyncadd.s32 $0xFFFF8000  }
.Ltmp14:
0x17f: {  	(pc) =	sbr.rel @p0 .LBB2_16-.Ltmp14, $3  }
0x180: {  	_ =	sdelay $0x1  }
0x181: {  	_ =	swait.ge [sflag:s22], $0x8000  }
0x182: {  	[sflag:s22] =	ssyncset.done $0x0  }
.Ltmp15:
0x183: {  	_ = 	snop;
	(pc) =	sbr.rel .LBB2_17-.Ltmp15, $1  }
0x184: {  	_ =	sdelay $0x3  }
.LBB2_19:
0x185: {  	_ =	sfence.sel $0x180000  }
0x186: {  	[bflag:$0x0] =	sbarrier.arrive $0xFFFF  }
0x187: {  	_ =	strace $0x90000047  }
0x188: {  	s0 =	stileid.u32;
	[bflag:$0x2] =	sbarrier.arrive $0xFFFF  }
0x189: {  	p0 =	sne.s32 s0, $0x0;
	s0 =	rddreg [dreg:$0x3]  }
0x18a: {  	s0 =	sadd.s32 @!p0 $0x100000, s0  }
0x18b: {  	[sflag:s0] =	ssyncadd.tile.s32 @!p0 $0x1;
	_ =	shalt  }
.Lfunc_end2:
_tile_overlayer_lowered:
.L_overlay_start_2:
0x18c: {  	(tag) =	ssettag $0x2  }
0x18d: {  	s0 =	rddreg [dreg:$0x0];
	s2 =	stileid.u32  }
0x18e: {  	s1 =	rddreg [dreg:$0x1];
	p0 =	sne.s32 s2, $0x0  }
0x18f: {  	s3 =	rddreg [dreg:$0x2];
	[bflag:$0x3] =	sbarrier.arrive $0xFFFF;
	s2 =	simm.s32 @!p0 $0x1C03  }
0x190: {  	[timem:s3], [sflag:s2] =	dma.local @!p0 [hbm:s0], s1  }
0x191: {  	s0 =	simm.s32 @!p0 $0x3  }
0x192: {  	_ =	swait.ge @!p0 [sflag:s0], s1  }
0x193: {  	s1 =	ssub.s32 @!p0 $0x0, s1;
	[sflag:s0] =	ssyncset.done @!p0 $0x0  }
0x194: {  	[sflag:s0] =	ssyncadd.s32 @!p0 s1  }
0x195: {  	[bflag:$0x3] =	sbarrier.arrive $0xFFFF  }
0x196: {  	_ =	shalt  }

</sc_bundles>
